<compile_context>
chip_gen: v7x
topology: tpu7x:2x2x1
jax: 0.10.2.dev20260603
libtpu: 0.0.44.dev20260713+nightly
codegen_flags: <defaults>
</compile_context>

<pallas_src>
import functools

import jax
import jax.numpy as jnp
from jax import lax
from jax.experimental import pallas as pl
from jax.experimental.pallas import tpu as pltpu
from jax.experimental.pallas import tpu_sc as plsc

N = 10000
E = 160000
DIM = 256
HALF = 128

NC = 2
NS = 16
CHUNK = 80
PADE = E
NCHUNKS = PADE // CHUNK
CPS = NCHUNKS // NS
IDX_PARTS = 5
NA = N
RPS = N // NS
STAGE_ROWS = 25

_sc_mesh = plsc.VectorSubcoreMesh(core_axis_name="c", subcore_axis_name="s")


@functools.partial(
    pl.kernel,
    out_type=jax.ShapeDtypeStruct((2 * N, HALF), jnp.float32),
    mesh=_sc_mesh,
    scratch_types=[
        pltpu.VMEM((CPS, CHUNK), jnp.int32),
        pltpu.VMEM((CPS, CHUNK), jnp.int32),
        pltpu.VMEM((3, CHUNK, HALF), jnp.float32),
        pltpu.VMEM_SHARED((NA, HALF), jnp.float32),
        pltpu.SemaphoreType.DMA((3,)),
        pltpu.SemaphoreType.DMA((3,)),
        pltpu.SemaphoreType.DMA,
    ],
    compiler_params=pltpu.CompilerParams(use_tc_tiling_on_sc=False),
)
def _sc_aggregate(src2_hbm, dst_hbm, h_hbm, zer_hbm, out_hbm,
                  src_v, dst_v, rows_v, accum, sem_g, sem_s, sem_i):
    c = lax.axis_index("c")
    s = lax.axis_index("s")

    zcp = pltpu.async_copy(zer_hbm, accum.at[pl.ds(s * RPS, RPS)], sem_i)

    part = CPS // IDX_PARTS

    def _ldidx(t, carry):
        pltpu.async_copy(src2_hbm.at[c, pl.ds(s * CPS + t * part, part)],
                         src_v.at[pl.ds(t * part, part)], sem_g.at[0])
        pltpu.async_copy(dst_hbm.at[pl.ds(s * CPS + t * part, part)],
                         dst_v.at[pl.ds(t * part, part)], sem_g.at[1])
        return carry

    lax.fori_loop(0, IDX_PARTS, _ldidx, 0)

    def _ldwait(t, carry):
        pltpu.make_async_copy(src2_hbm.at[c, pl.ds(s * CPS + t * part, part)],
                              src_v.at[pl.ds(t * part, part)],
                              sem_g.at[0]).wait()
        pltpu.make_async_copy(dst_hbm.at[pl.ds(s * CPS + t * part, part)],
                              dst_v.at[pl.ds(t * part, part)],
                              sem_g.at[1]).wait()
        return carry

    lax.fori_loop(0, IDX_PARTS, _ldwait, 0)
    zcp.wait()

    plsc.subcore_barrier()

    def _step(j, carry):
        slot = j % 3
        pslot = (j + 2) % 3

        @pl.when(jnp.logical_and(j >= 3, j - 3 < CPS))
        def _wait_scatter():
            pltpu.make_async_copy(rows_v.at[slot],
                                  accum.at[dst_v.at[j - 3]],
                                  sem_s.at[slot]).wait()

        @pl.when(j < CPS)
        def _issue():
            pltpu.async_copy(h_hbm.at[src_v.at[j]], rows_v.at[slot],
                             sem_g.at[slot])

        @pl.when(jnp.logical_and(j > 0, j <= CPS))
        def _drain():
            pltpu.make_async_copy(h_hbm.at[src_v.at[j - 1]],
                                  rows_v.at[pslot], sem_g.at[pslot]).wait()
            pltpu.async_copy(rows_v.at[pslot], accum.at[dst_v.at[j - 1]],
                             sem_s.at[pslot], add=True)
        return carry

    lax.fori_loop(0, CPS + 3, _step, 0)

    plsc.subcore_barrier()

    pltpu.sync_copy(accum.at[pl.ds(s * RPS, RPS)],
                    out_hbm.at[pl.ds(c * N + s * RPS, RPS)])


BLK = 10000
NBLK = N // BLK


def _dense_body(hlo_ref, hhi_ref, alo_ref, ahi_ref, w1_ref, b1_ref,
                w2_ref, b2_ref, z_ref, stats_ref):
    hlo = hlo_ref[...] + alo_ref[...]
    hhi = hhi_ref[...] + ahi_ref[...]
    w1 = w1_ref[...]
    y = jnp.dot(hlo, w1[:HALF, :], preferred_element_type=jnp.float32)
    y += jnp.dot(hhi, w1[HALF:, :], preferred_element_type=jnp.float32)
    y = jnp.maximum(y + b1_ref[...], 0.0)
    z = jnp.dot(y, w2_ref[...], preferred_element_type=jnp.float32)
    z = jnp.maximum(z + b2_ref[...], 0.0)
    z_ref[...] = z
    part = jnp.concatenate(
        [jnp.sum(z, axis=0, keepdims=True),
         jnp.sum(z * z, axis=0, keepdims=True),
         jnp.zeros((6, DIM), jnp.float32)], axis=0)

    @pl.when(pl.program_id(0) == 0)
    def _():
        stats_ref[...] = jnp.zeros_like(stats_ref)

    stats_ref[...] += part


_dense = pl.pallas_call(
    _dense_body,
    grid=(NBLK,),
    in_specs=[
        pl.BlockSpec((BLK, HALF), lambda j: (j, 0)),
        pl.BlockSpec((BLK, HALF), lambda j: (NBLK + j, 0)),
        pl.BlockSpec((BLK, HALF), lambda j: (j, 0)),
        pl.BlockSpec((BLK, HALF), lambda j: (NBLK + j, 0)),
        pl.BlockSpec((DIM, DIM), lambda j: (0, 0)),
        pl.BlockSpec((1, DIM), lambda j: (0, 0)),
        pl.BlockSpec((DIM, DIM), lambda j: (0, 0)),
        pl.BlockSpec((1, DIM), lambda j: (0, 0)),
    ],
    out_specs=[
        pl.BlockSpec((BLK, DIM), lambda j: (j, 0)),
        pl.BlockSpec((8, DIM), lambda j: (0, 0)),
    ],
    out_shape=[
        jax.ShapeDtypeStruct((N, DIM), jnp.float32),
        jax.ShapeDtypeStruct((8, DIM), jnp.float32),
    ],
)


def _norm_split_body(z_ref, stats_ref, g_ref, be_ref, out_ref):
    mean = stats_ref[0:1, :] / N
    var = stats_ref[1:2, :] / N - mean * mean
    inv = g_ref[...] * lax.rsqrt(var + 1e-5)
    out_ref[...] = (z_ref[...] - mean) * inv + be_ref[...]


_norm_split = pl.pallas_call(
    _norm_split_body,
    grid=(2, NBLK),
    in_specs=[
        pl.BlockSpec((BLK, HALF), lambda i, j: (j, i)),
        pl.BlockSpec((8, HALF), lambda i, j: (0, i)),
        pl.BlockSpec((1, HALF), lambda i, j: (0, i)),
        pl.BlockSpec((1, HALF), lambda i, j: (0, i)),
    ],
    out_specs=pl.BlockSpec((BLK, HALF), lambda i, j: (i * NBLK + j, 0)),
    out_shape=jax.ShapeDtypeStruct((2 * N, HALF), jnp.float32),
)


def _norm_full_body(z_ref, stats_ref, g_ref, be_ref, out_ref):
    mean = stats_ref[0:1, :] / N
    var = stats_ref[1:2, :] / N - mean * mean
    inv = g_ref[...] * lax.rsqrt(var + 1e-5)
    out_ref[...] = (z_ref[...] - mean) * inv + be_ref[...]


_norm_full = pl.pallas_call(
    _norm_full_body,
    grid=(NBLK,),
    in_specs=[
        pl.BlockSpec((BLK, DIM), lambda j: (j, 0)),
        pl.BlockSpec((8, DIM), lambda j: (0, 0)),
        pl.BlockSpec((1, DIM), lambda j: (0, 0)),
        pl.BlockSpec((1, DIM), lambda j: (0, 0)),
    ],
    out_specs=pl.BlockSpec((BLK, DIM), lambda j: (j, 0)),
    out_shape=jax.ShapeDtypeStruct((N, DIM), jnp.float32),
)


def kernel(x, edge_index, w11, b11, w12, b12, g1, be1,
           w21, b21, w22, b22, g2, be2,
           w31, b31, w32, b32, g3, be3):
    src = edge_index[0].astype(jnp.int32)
    dst = edge_index[1].astype(jnp.int32)
    pad = PADE - E
    src = jnp.concatenate([src, jnp.zeros((pad,), jnp.int32)])
    dst = jnp.concatenate([dst, jnp.full((pad,), N, jnp.int32)])
    src2 = jnp.stack([src, src + N]).reshape(2, NCHUNKS, CHUNK)
    dstc = dst.reshape(NCHUNKS, CHUNK)

    h = jnp.concatenate([x[:, :HALF], x[:, HALF:]], axis=0)

    layers = [(w11, b11, w12, b12, g1, be1),
              (w21, b21, w22, b22, g2, be2),
              (w31, b31, w32, b32, g3, be3)]

    zer = jnp.zeros((RPS, HALF), jnp.float32)
    for li, (w1, b1, w2, b2, g, be) in enumerate(layers):
        agg = _sc_aggregate(src2, dstc, h, zer)
        z, stats = _dense(h, h, agg, agg, w1, b1.reshape(1, DIM),
                          w2, b2.reshape(1, DIM))
        if li < 2:
            h = _norm_split(z, stats, g.reshape(1, DIM), be.reshape(1, DIM))
        else:
            return _norm_full(z, stats, g.reshape(1, DIM), be.reshape(1, DIM))

# --- scband reference (transcript-rebuilt; emitter-appended) ---
"""Pipeline reference for scband-encoder-27831388078285 (READ-ONLY COPY).

The authoritative reference and input builder live on the scoring server;
editing this copy changes nothing except your own understanding.
"""

import jax, jax.numpy as jnp
import numpy as np

N = 10000
E = 160000
D_IN = 256
DIM = 256


def _linear_params(key, fan_in, fan_out):
    k1, k2 = jax.random.split(key)
    bound = 1.0 / np.sqrt(fan_in)
    w = jax.random.uniform(k1, (fan_in, fan_out), minval=-bound, maxval=bound, dtype=jnp.float32)
    b = jax.random.uniform(k2, (fan_out,), minval=-bound, maxval=bound, dtype=jnp.float32)
    return w, b


def setup_inputs(seed: int = 0) -> dict:
    key = jax.random.key(seed)
    ks = jax.random.split(key, 10)
    x = jax.random.normal(ks[0], (N, D_IN), dtype=jnp.float32)
    edge_index = jax.random.randint(ks[1], (2, E), 0, N, dtype=jnp.int64)
    w11, b11 = _linear_params(ks[2], D_IN, DIM)
    w12, b12 = _linear_params(ks[3], DIM, DIM)
    w21, b21 = _linear_params(ks[4], DIM, DIM)
    w22, b22 = _linear_params(ks[5], DIM, DIM)
    w31, b31 = _linear_params(ks[6], DIM, DIM)
    w32, b32 = _linear_params(ks[7], DIM, DIM)
    g1 = jnp.ones((DIM,), jnp.float32); be1 = jnp.zeros((DIM,), jnp.float32)
    g2 = jnp.ones((DIM,), jnp.float32); be2 = jnp.zeros((DIM,), jnp.float32)
    g3 = jnp.ones((DIM,), jnp.float32); be3 = jnp.zeros((DIM,), jnp.float32)
    return {"x": x, "edge_index": edge_index,
            "w11": w11, "b11": b11, "w12": w12, "b12": b12, "g1": g1, "be1": be1,
            "w21": w21, "b21": b21, "w22": w22, "b22": b22, "g2": g2, "be2": be2,
            "w31": w31, "b31": b31, "w32": w32, "b32": b32, "g3": g3, "be3": be3}


def _gin_conv(x, edge_index, w1, b1, w2, b2, eps=0.0):
    src = edge_index[0]
    dst = edge_index[1]
    msgs = jnp.take(x, src, axis=0)
    agg = jax.ops.segment_sum(msgs, dst, num_segments=x.shape[0])
    h = (1.0 + eps) * x + agg
    h = h @ w1 + b1
    h = jax.nn.relu(h)
    h = h @ w2 + b2
    return h


def _batch_norm(x, gamma, beta, eps=1e-5):
    mean = jnp.mean(x, axis=0)
    var = jnp.mean((x - mean) ** 2, axis=0)
    return gamma * (x - mean) / jnp.sqrt(var + eps) + beta


def reference(x, edge_index, w11, b11, w12, b12, g1, be1,
              w21, b21, w22, b22, g2, be2,
              w31, b31, w32, b32, g3, be3):
    h = jax.nn.relu(_gin_conv(x, edge_index, w11, b11, w12, b12))
    h = _batch_norm(h, g1, be1)
    h = jax.nn.relu(_gin_conv(h, edge_index, w21, b21, w22, b22))
    h = _batch_norm(h, g2, be2)
    h = jax.nn.relu(_gin_conv(h, edge_index, w31, b31, w32, b32))
    h = _batch_norm(h, g3, be3)
    return h

if __name__ == "__main__":
    import jax
    _d = setup_inputs()
    print(jax.jit(kernel)(*tuple(_d.values())))

</pallas_src>

<mosaic_0001>
#map = affine_map<(d0, d1) -> (0, 0, 0)>
#map1 = affine_map<(d0, d1) -> (0, 0)>
module attributes {stable_mosaic.version = 14 : i64} {
  func.func @_sc_aggregate(%arg0: i32, %arg1: i32, %arg2: memref<2x2000x80xi32, #tpu.memory_space<hbm>>, %arg3: memref<2000x80xi32, #tpu.memory_space<hbm>>, %arg4: memref<20000x128xf32, #tpu.memory_space<hbm>>, %arg5: memref<625x128xf32, #tpu.memory_space<hbm>>, %arg6: memref<20000x128xf32, #tpu.memory_space<hbm>>, %arg7: memref<125x80xi32, #tpu.memory_space<vmem>>, %arg8: memref<125x80xi32, #tpu.memory_space<vmem>>, %arg9: memref<3x80x128xf32, #tpu.memory_space<vmem>>, %arg10: memref<10000x128xf32, #tpu.memory_space<vmem_shared>>, %arg11: memref<3x!tpu.dma_semaphore, #tpu.memory_space<semaphore_mem>>, %arg12: memref<3x!tpu.dma_semaphore, #tpu.memory_space<semaphore_mem>>, %arg13: memref<!tpu.dma_semaphore, #tpu.memory_space<semaphore_mem>>) attributes {dimension_semantics = [#tpu.dimension_semantics<core_parallel>, #tpu.dimension_semantics<subcore_parallel>], iteration_bounds = array<i64: 2, 16>, scalar_prefetch = 0 : i64, scratch_operands = 7 : i64, tpu.core_type = #tpu.core_type<sc_vector_subcore>, window_params = [{transform_indices = #map}, {transform_indices = #map1}, {transform_indices = #map1}, {transform_indices = #map1}, {transform_indices = #map1}]} {
    %mul3A = arith.constant 625 : i32
    %mul3A_0 = arith.muli %arg1, %mul3A : i32
    %dma_start3A = arith.constant 0 : i32
    %dma_start3A_1 = tpu.memref_slice %arg10[%mul3A_0, %dma_start3A] : memref<10000x128xf32, #tpu.memory_space<vmem_shared>> -> memref<625x128xf32, #tpu.memory_space<vmem_shared>>
    tpu.enqueue_dma source(%arg5 : memref<625x128xf32, #tpu.memory_space<hbm>>) target(%dma_start3A_1 : memref<625x128xf32, #tpu.memory_space<vmem_shared>>) target_semaphore(%arg13 : memref<!tpu.dma_semaphore, #tpu.memory_space<semaphore_mem>>)
    %scan3A = arith.constant 0 : i32
    %scan3A_2 = arith.constant 0 : i32
    %scan3A_3 = arith.constant 5 : i32
    %scan3A_4 = arith.addi %scan3A_2, %scan3A_3 : i32
    %scan3A_5 = arith.constant 1 : i32
    scf.for %scan3A_27 = %scan3A_2 to %scan3A_4 step %scan3A_5  : i32 {
      %mul3A_28 = arith.constant 125 : i32
      %mul3A_29 = arith.muli %arg1, %mul3A_28 : i32
      %mul3A_30 = arith.constant 25 : i32
      %mul3A_31 = arith.muli %scan3A_27, %mul3A_30 : i32
      %add3A_32 = arith.addi %mul3A_29, %mul3A_31 : i32
      %mul3A_33 = arith.constant 25 : i32
      %mul3A_34 = arith.muli %scan3A_27, %mul3A_33 : i32
      %dma_start3A_35 = arith.constant 0 : i32
      %dma_start3A_36 = arith.constant 0 : i32
      %dma_start3A_37 = tpu.memref_slice %arg7[%mul3A_34, %dma_start3A_36] : memref<125x80xi32, #tpu.memory_space<vmem>> -> memref<25x80xi32, #tpu.memory_space<vmem>>
      %dma_start3A_38 = arith.constant 0 : i32
      %dma_start3A_39 = tpu.memref_slice %arg2[%arg0, %add3A_32, %dma_start3A_38] : memref<2x2000x80xi32, #tpu.memory_space<hbm>> -> memref<1x25x80xi32, #tpu.memory_space<hbm>>
      %dma_start3A_40 = tpu.memref_squeeze %dma_start3A_39 : memref<1x25x80xi32, #tpu.memory_space<hbm>> -> memref<25x80xi32, #tpu.memory_space<hbm>>
      %dma_start3A_41 = tpu.memref_slice %arg11[%dma_start3A_35] : memref<3x!tpu.dma_semaphore, #tpu.memory_space<semaphore_mem>> -> memref<1x!tpu.dma_semaphore, #tpu.memory_space<semaphore_mem>>
      %dma_start3A_42 = tpu.memref_squeeze %dma_start3A_41 : memref<1x!tpu.dma_semaphore, #tpu.memory_space<semaphore_mem>> -> memref<!tpu.dma_semaphore, #tpu.memory_space<semaphore_mem>>
      %dma_start3A_43 = arith.constant 0 : i32
      %dma_start3A_44 = tpu.memref_slice %arg7[%mul3A_34, %dma_start3A_43] : memref<125x80xi32, #tpu.memory_space<vmem>> -> memref<25x80xi32, #tpu.memory_space<vmem>>
      %dma_start3A_45 = arith.constant 0 : i32
      %dma_start3A_46 = tpu.memref_slice %arg2[%arg0, %add3A_32, %dma_start3A_45] : memref<2x2000x80xi32, #tpu.memory_space<hbm>> -> memref<1x25x80xi32, #tpu.memory_space<hbm>>
      %dma_start3A_47 = tpu.memref_squeeze %dma_start3A_46 : memref<1x25x80xi32, #tpu.memory_space<hbm>> -> memref<25x80xi32, #tpu.memory_space<hbm>>
      tpu.enqueue_dma source(%dma_start3A_47 : memref<25x80xi32, #tpu.memory_space<hbm>>) target(%dma_start3A_44 : memref<25x80xi32, #tpu.memory_space<vmem>>) target_semaphore(%dma_start3A_42 : memref<!tpu.dma_semaphore, #tpu.memory_space<semaphore_mem>>)
      %mul3A_48 = arith.constant 125 : i32
      %mul3A_49 = arith.muli %arg1, %mul3A_48 : i32
      %mul3A_50 = arith.constant 25 : i32
      %mul3A_51 = arith.muli %scan3A_27, %mul3A_50 : i32
      %add3A_52 = arith.addi %mul3A_49, %mul3A_51 : i32
      %mul3A_53 = arith.constant 25 : i32
      %mul3A_54 = arith.muli %scan3A_27, %mul3A_53 : i32
      %dma_start3A_55 = arith.constant 1 : i32
      %dma_start3A_56 = arith.constant 0 : i32
      %dma_start3A_57 = tpu.memref_slice %arg8[%mul3A_54, %dma_start3A_56] : memref<125x80xi32, #tpu.memory_space<vmem>> -> memref<25x80xi32, #tpu.memory_space<vmem>>
      %dma_start3A_58 = arith.constant 0 : i32
      %dma_start3A_59 = tpu.memref_slice %arg3[%add3A_52, %dma_start3A_58] : memref<2000x80xi32, #tpu.memory_space<hbm>> -> memref<25x80xi32, #tpu.memory_space<hbm>>
      %dma_start3A_60 = tpu.memref_slice %arg11[%dma_start3A_55] : memref<3x!tpu.dma_semaphore, #tpu.memory_space<semaphore_mem>> -> memref<1x!tpu.dma_semaphore, #tpu.memory_space<semaphore_mem>>
      %dma_start3A_61 = tpu.memref_squeeze %dma_start3A_60 : memref<1x!tpu.dma_semaphore, #tpu.memory_space<semaphore_mem>> -> memref<!tpu.dma_semaphore, #tpu.memory_space<semaphore_mem>>
      %dma_start3A_62 = arith.constant 0 : i32
      %dma_start3A_63 = tpu.memref_slice %arg8[%mul3A_54, %dma_start3A_62] : memref<125x80xi32, #tpu.memory_space<vmem>> -> memref<25x80xi32, #tpu.memory_space<vmem>>
      %dma_start3A_64 = arith.constant 0 : i32
      %dma_start3A_65 = tpu.memref_slice %arg3[%add3A_52, %dma_start3A_64] : memref<2000x80xi32, #tpu.memory_space<hbm>> -> memref<25x80xi32, #tpu.memory_space<hbm>>
      tpu.enqueue_dma source(%dma_start3A_65 : memref<25x80xi32, #tpu.memory_space<hbm>>) target(%dma_start3A_63 : memref<25x80xi32, #tpu.memory_space<vmem>>) target_semaphore(%dma_start3A_61 : memref<!tpu.dma_semaphore, #tpu.memory_space<semaphore_mem>>)
    }
    %scan3A_6 = arith.constant 5 : i32
    %scan3A_7 = arith.constant 0 : i32
    %scan3A_8 = arith.constant 0 : i32
    %scan3A_9 = arith.constant 5 : i32
    %scan3A_10 = arith.addi %scan3A_8, %scan3A_9 : i32
    %scan3A_11 = arith.constant 1 : i32
    scf.for %scan3A_27 = %scan3A_8 to %scan3A_10 step %scan3A_11  : i32 {
      %mul3A_28 = arith.constant 125 : i32
      %mul3A_29 = arith.muli %arg1, %mul3A_28 : i32
      %mul3A_30 = arith.constant 25 : i32
      %mul3A_31 = arith.muli %scan3A_27, %mul3A_30 : i32
      %add3A_32 = arith.addi %mul3A_29, %mul3A_31 : i32
      %mul3A_33 = arith.constant 25 : i32
      %mul3A_34 = arith.muli %scan3A_27, %mul3A_33 : i32
      %dma_wait3A_35 = arith.constant 0 : i32
      %dma_wait3A_36 = arith.constant 0 : i32
      %dma_wait3A_37 = tpu.memref_slice %arg7[%mul3A_34, %dma_wait3A_36] : memref<125x80xi32, #tpu.memory_space<vmem>> -> memref<25x80xi32, #tpu.memory_space<vmem>>
      %dma_wait3A_38 = arith.constant 0 : i32
      %dma_wait3A_39 = tpu.memref_slice %arg2[%arg0, %add3A_32, %dma_wait3A_38] : memref<2x2000x80xi32, #tpu.memory_space<hbm>> -> memref<1x25x80xi32, #tpu.memory_space<hbm>>
      %dma_wait3A_40 = tpu.memref_squeeze %dma_wait3A_39 : memref<1x25x80xi32, #tpu.memory_space<hbm>> -> memref<25x80xi32, #tpu.memory_space<hbm>>
      %dma_wait3A_41 = tpu.memref_slice %arg11[%dma_wait3A_35] : memref<3x!tpu.dma_semaphore, #tpu.memory_space<semaphore_mem>> -> memref<1x!tpu.dma_semaphore, #tpu.memory_space<semaphore_mem>>
      %dma_wait3A_42 = tpu.memref_squeeze %dma_wait3A_41 : memref<1x!tpu.dma_semaphore, #tpu.memory_space<semaphore_mem>> -> memref<!tpu.dma_semaphore, #tpu.memory_space<semaphore_mem>>
      %dma_wait3A_43 = arith.constant 0 : i32
      %dma_wait3A_44 = tpu.memref_slice %arg7[%mul3A_34, %dma_wait3A_43] : memref<125x80xi32, #tpu.memory_space<vmem>> -> memref<25x80xi32, #tpu.memory_space<vmem>>
      %dma_wait3A_45 = arith.constant 0 : i32
      %dma_wait3A_46 = tpu.memref_slice %arg2[%arg0, %add3A_32, %dma_wait3A_45] : memref<2x2000x80xi32, #tpu.memory_space<hbm>> -> memref<1x25x80xi32, #tpu.memory_space<hbm>>
      %dma_wait3A_47 = tpu.memref_squeeze %dma_wait3A_46 : memref<1x25x80xi32, #tpu.memory_space<hbm>> -> memref<25x80xi32, #tpu.memory_space<hbm>>
      tpu.wait_dma2 semaphore(%dma_wait3A_42 : memref<!tpu.dma_semaphore, #tpu.memory_space<semaphore_mem>>) src(%dma_wait3A_47 : memref<25x80xi32, #tpu.memory_space<hbm>>) dst(%dma_wait3A_44 : memref<25x80xi32, #tpu.memory_space<vmem>>)
      %mul3A_48 = arith.constant 125 : i32
      %mul3A_49 = arith.muli %arg1, %mul3A_48 : i32
      %mul3A_50 = arith.constant 25 : i32
      %mul3A_51 = arith.muli %scan3A_27, %mul3A_50 : i32
      %add3A_52 = arith.addi %mul3A_49, %mul3A_51 : i32
      %mul3A_53 = arith.constant 25 : i32
      %mul3A_54 = arith.muli %scan3A_27, %mul3A_53 : i32
      %dma_wait3A_55 = arith.constant 1 : i32
      %dma_wait3A_56 = arith.constant 0 : i32
      %dma_wait3A_57 = tpu.memref_slice %arg8[%mul3A_54, %dma_wait3A_56] : memref<125x80xi32, #tpu.memory_space<vmem>> -> memref<25x80xi32, #tpu.memory_space<vmem>>
      %dma_wait3A_58 = arith.constant 0 : i32
      %dma_wait3A_59 = tpu.memref_slice %arg3[%add3A_52, %dma_wait3A_58] : memref<2000x80xi32, #tpu.memory_space<hbm>> -> memref<25x80xi32, #tpu.memory_space<hbm>>
      %dma_wait3A_60 = tpu.memref_slice %arg11[%dma_wait3A_55] : memref<3x!tpu.dma_semaphore, #tpu.memory_space<semaphore_mem>> -> memref<1x!tpu.dma_semaphore, #tpu.memory_space<semaphore_mem>>
      %dma_wait3A_61 = tpu.memref_squeeze %dma_wait3A_60 : memref<1x!tpu.dma_semaphore, #tpu.memory_space<semaphore_mem>> -> memref<!tpu.dma_semaphore, #tpu.memory_space<semaphore_mem>>
      %dma_wait3A_62 = arith.constant 0 : i32
      %dma_wait3A_63 = tpu.memref_slice %arg8[%mul3A_54, %dma_wait3A_62] : memref<125x80xi32, #tpu.memory_space<vmem>> -> memref<25x80xi32, #tpu.memory_space<vmem>>
      %dma_wait3A_64 = arith.constant 0 : i32
      %dma_wait3A_65 = tpu.memref_slice %arg3[%add3A_52, %dma_wait3A_64] : memref<2000x80xi32, #tpu.memory_space<hbm>> -> memref<25x80xi32, #tpu.memory_space<hbm>>
      tpu.wait_dma2 semaphore(%dma_wait3A_61 : memref<!tpu.dma_semaphore, #tpu.memory_space<semaphore_mem>>) src(%dma_wait3A_65 : memref<25x80xi32, #tpu.memory_space<hbm>>) dst(%dma_wait3A_63 : memref<25x80xi32, #tpu.memory_space<vmem>>)
    }
    %scan3A_12 = arith.constant 5 : i32
    %dma_wait3A = arith.constant 0 : i32
    %dma_wait3A_13 = tpu.memref_slice %arg10[%mul3A_0, %dma_wait3A] : memref<10000x128xf32, #tpu.memory_space<vmem_shared>> -> memref<625x128xf32, #tpu.memory_space<vmem_shared>>
    tpu.wait_dma2 semaphore(%arg13 : memref<!tpu.dma_semaphore, #tpu.memory_space<semaphore_mem>>) src(%arg5 : memref<625x128xf32, #tpu.memory_space<hbm>>) dst(%dma_wait3A_13 : memref<625x128xf32, #tpu.memory_space<vmem_shared>>)
    %barrier3A = arith.constant 0 : index
    tpu.barrier barrier_id(%barrier3A)
    %scan3A_14 = arith.constant 0 : i32
    %scan3A_15 = arith.constant 0 : i32
    %scan3A_16 = arith.constant 128 : i32
    %scan3A_17 = arith.addi %scan3A_15, %scan3A_16 : i32
    %scan3A_18 = arith.constant 1 : i32
    scf.for %scan3A_27 = %scan3A_15 to %scan3A_17 step %scan3A_18  : i32 {
      %jit3A = arith.constant 3 : i32
      %eq3A = arith.constant 0 : i32
      %eq3A_28 = arith.cmpi eq, %jit3A, %eq3A : i32
      %jit3A_29 = arith.constant 1 : i32
      %select_n3A = arith.select %eq3A_28, %jit3A_29, %jit3A : i32
      %rem3A = arith.remsi %scan3A_27, %select_n3A : i32
      %ne3A = arith.constant 0 : i32
      %ne3A_30 = arith.cmpi ne, %rem3A, %ne3A : i32
      %lt3A = arith.constant 0 : i32
      %lt3A_31 = arith.cmpi slt, %rem3A, %lt3A : i32
      %lt3A_32 = arith.constant 0 : i32
      %lt3A_33 = arith.cmpi slt, %select_n3A, %lt3A_32 : i32
      %ne3A_34 = arith.xori %lt3A_31, %lt3A_33 : i1
      %and3A = arith.andi %ne3A_34, %ne3A_30 : i1
      %add3A_35 = arith.addi %rem3A, %select_n3A : i32
      %select_n3A_36 = arith.select %and3A, %add3A_35, %rem3A : i32
      %add3A_37 = arith.constant 2 : i32
      %add3A_38 = arith.addi %scan3A_27, %add3A_37 : i32
      %jit3A_39 = arith.constant 3 : i32
      %eq3A_40 = arith.constant 0 : i32
      %eq3A_41 = arith.cmpi eq, %jit3A_39, %eq3A_40 : i32
      %jit3A_42 = arith.constant 1 : i32
      %select_n3A_43 = arith.select %eq3A_41, %jit3A_42, %jit3A_39 : i32
      %rem3A_44 = arith.remsi %add3A_38, %select_n3A_43 : i32
      %ne3A_45 = arith.constant 0 : i32
      %ne3A_46 = arith.cmpi ne, %rem3A_44, %ne3A_45 : i32
      %lt3A_47 = arith.constant 0 : i32
      %lt3A_48 = arith.cmpi slt, %rem3A_44, %lt3A_47 : i32
      %lt3A_49 = arith.constant 0 : i32
      %lt3A_50 = arith.cmpi slt, %select_n3A_43, %lt3A_49 : i32
      %ne3A_51 = arith.xori %lt3A_48, %lt3A_50 : i1
      %and3A_52 = arith.andi %ne3A_51, %ne3A_46 : i1
      %add3A_53 = arith.addi %rem3A_44, %select_n3A_43 : i32
      %select_n3A_54 = arith.select %and3A_52, %add3A_53, %rem3A_44 : i32
      %ge3A = arith.constant 3 : i32
      %ge3A_55 = arith.cmpi sge, %scan3A_27, %ge3A : i32
      %sub3A = arith.constant 3 : i32
      %sub3A_56 = arith.subi %scan3A_27, %sub3A : i32
      %lt3A_57 = arith.constant 125 : i32
      %lt3A_58 = arith.cmpi slt, %sub3A_56, %lt3A_57 : i32
      %and3A_59 = arith.andi %ge3A_55, %lt3A_58 : i1
      %convert_element_type3A = arith.extui %and3A_59 : i1 to i32
      %cond3A = arith.constant 0 : i32
      %cond3A_60 = arith.cmpi ne, %convert_element_type3A, %cond3A : i32
      scf.if %cond3A_60 {
        %sub3A_72 = arith.constant 3 : i32
        %sub3A_73 = arith.subi %scan3A_27, %sub3A_72 : i32
        %dma_wait3A_74 = arith.constant 0 : i32
        %dma_wait3A_75 = arith.constant 0 : i32
        %dma_wait3A_76 = tpu.memref_slice %arg9[%select_n3A_36, %dma_wait3A_74, %dma_wait3A_75] : memref<3x80x128xf32, #tpu.memory_space<vmem>> -> memref<1x80x128xf32, #tpu.memory_space<vmem>>
        %dma_wait3A_77 = tpu.memref_squeeze %dma_wait3A_76 : memref<1x80x128xf32, #tpu.memory_space<vmem>> -> memref<80x128xf32, #tpu.memory_space<vmem>>
        %dma_wait3A_78 = arith.constant 0 : i32
        %dma_wait3A_79 = tpu.memref_slice %arg8[%sub3A_73, %dma_wait3A_78] : memref<125x80xi32, #tpu.memory_space<vmem>> -> memref<1x80xi32, #tpu.memory_space<vmem>>
        %dma_wait3A_80 = tpu.memref_squeeze %dma_wait3A_79 : memref<1x80xi32, #tpu.memory_space<vmem>> -> memref<80xi32, #tpu.memory_space<vmem>>
        %dma_wait3A_81 = arith.constant 0 : i32
        %dma_wait3A_82 = arith.constant 0 : i32
        %dma_wait3A_83 = tpu.memref_slice %arg10[%dma_wait3A_81, %dma_wait3A_82] : memref<10000x128xf32, #tpu.memory_space<vmem_shared>> -> memref<10000x128xf32, #tpu.memory_space<vmem_shared>>
        %dma_wait3A_84 = tpu.memref_slice %arg12[%select_n3A_36] : memref<3x!tpu.dma_semaphore, #tpu.memory_space<semaphore_mem>> -> memref<1x!tpu.dma_semaphore, #tpu.memory_space<semaphore_mem>>
        %dma_wait3A_85 = tpu.memref_squeeze %dma_wait3A_84 : memref<1x!tpu.dma_semaphore, #tpu.memory_space<semaphore_mem>> -> memref<!tpu.dma_semaphore, #tpu.memory_space<semaphore_mem>>
        tpu.wait_indirect_dma semaphore(%dma_wait3A_85 : memref<!tpu.dma_semaphore, #tpu.memory_space<semaphore_mem>>) src(%dma_wait3A_77 : memref<80x128xf32, #tpu.memory_space<vmem>>) dst(%dma_wait3A_83 : memref<10000x128xf32, #tpu.memory_space<vmem_shared>>)
      } else {
      }
      %lt3A_61 = arith.constant 125 : i32
      %lt3A_62 = arith.cmpi slt, %scan3A_27, %lt3A_61 : i32
      %convert_element_type3A_63 = arith.extui %lt3A_62 : i1 to i32
      %cond3A_64 = arith.constant 0 : i32
      %cond3A_65 = arith.cmpi ne, %convert_element_type3A_63, %cond3A_64 : i32
      scf.if %cond3A_65 {
        %dma_start3A_72 = arith.constant 0 : i32
        %dma_start3A_73 = arith.constant 0 : i32
        %dma_start3A_74 = tpu.memref_slice %arg9[%select_n3A_36, %dma_start3A_72, %dma_start3A_73] : memref<3x80x128xf32, #tpu.memory_space<vmem>> -> memref<1x80x128xf32, #tpu.memory_space<vmem>>
        %dma_start3A_75 = tpu.memref_squeeze %dma_start3A_74 : memref<1x80x128xf32, #tpu.memory_space<vmem>> -> memref<80x128xf32, #tpu.memory_space<vmem>>
        %dma_start3A_76 = arith.constant 0 : i32
        %dma_start3A_77 = tpu.memref_slice %arg7[%scan3A_27, %dma_start3A_76] : memref<125x80xi32, #tpu.memory_space<vmem>> -> memref<1x80xi32, #tpu.memory_space<vmem>>
        %dma_start3A_78 = tpu.memref_squeeze %dma_start3A_77 : memref<1x80xi32, #tpu.memory_space<vmem>> -> memref<80xi32, #tpu.memory_space<vmem>>
        %dma_start3A_79 = arith.constant 0 : i32
        %dma_start3A_80 = arith.constant 0 : i32
        %dma_start3A_81 = tpu.memref_slice %arg4[%dma_start3A_79, %dma_start3A_80] : memref<20000x128xf32, #tpu.memory_space<hbm>> -> memref<20000x128xf32, #tpu.memory_space<hbm>>
        %dma_start3A_82 = tpu.memref_slice %arg11[%select_n3A_36] : memref<3x!tpu.dma_semaphore, #tpu.memory_space<semaphore_mem>> -> memref<1x!tpu.dma_semaphore, #tpu.memory_space<semaphore_mem>>
        %dma_start3A_83 = tpu.memref_squeeze %dma_start3A_82 : memref<1x!tpu.dma_semaphore, #tpu.memory_space<semaphore_mem>> -> memref<!tpu.dma_semaphore, #tpu.memory_space<semaphore_mem>>
        tpu.enqueue_indirect_dma source(%dma_start3A_81 : memref<20000x128xf32, #tpu.memory_space<hbm>>) target(%dma_start3A_75 : memref<80x128xf32, #tpu.memory_space<vmem>>) offsets(%dma_start3A_78 : memref<80xi32, #tpu.memory_space<vmem>>) semaphore(%dma_start3A_83 : memref<!tpu.dma_semaphore, #tpu.memory_space<semaphore_mem>>)
      } else {
      }
      %gt3A = arith.constant 0 : i32
      %gt3A_66 = arith.cmpi sgt, %scan3A_27, %gt3A : i32
      %le3A = arith.constant 125 : i32
      %le3A_67 = arith.cmpi sle, %scan3A_27, %le3A : i32
      %and3A_68 = arith.andi %gt3A_66, %le3A_67 : i1
      %convert_element_type3A_69 = arith.extui %and3A_68 : i1 to i32
      %cond3A_70 = arith.constant 0 : i32
      %cond3A_71 = arith.cmpi ne, %convert_element_type3A_69, %cond3A_70 : i32
      scf.if %cond3A_71 {
        %sub3A_72 = arith.constant 1 : i32
        %sub3A_73 = arith.subi %scan3A_27, %sub3A_72 : i32
        %dma_wait3A_74 = arith.constant 0 : i32
        %dma_wait3A_75 = arith.constant 0 : i32
        %dma_wait3A_76 = tpu.memref_slice %arg9[%select_n3A_54, %dma_wait3A_74, %dma_wait3A_75] : memref<3x80x128xf32, #tpu.memory_space<vmem>> -> memref<1x80x128xf32, #tpu.memory_space<vmem>>
        %dma_wait3A_77 = tpu.memref_squeeze %dma_wait3A_76 : memref<1x80x128xf32, #tpu.memory_space<vmem>> -> memref<80x128xf32, #tpu.memory_space<vmem>>
        %dma_wait3A_78 = arith.constant 0 : i32
        %dma_wait3A_79 = tpu.memref_slice %arg7[%sub3A_73, %dma_wait3A_78] : memref<125x80xi32, #tpu.memory_space<vmem>> -> memref<1x80xi32, #tpu.memory_space<vmem>>
        %dma_wait3A_80 = tpu.memref_squeeze %dma_wait3A_79 : memref<1x80xi32, #tpu.memory_space<vmem>> -> memref<80xi32, #tpu.memory_space<vmem>>
        %dma_wait3A_81 = arith.constant 0 : i32
        %dma_wait3A_82 = arith.constant 0 : i32
        %dma_wait3A_83 = tpu.memref_slice %arg4[%dma_wait3A_81, %dma_wait3A_82] : memref<20000x128xf32, #tpu.memory_space<hbm>> -> memref<20000x128xf32, #tpu.memory_space<hbm>>
        %dma_wait3A_84 = tpu.memref_slice %arg11[%select_n3A_54] : memref<3x!tpu.dma_semaphore, #tpu.memory_space<semaphore_mem>> -> memref<1x!tpu.dma_semaphore, #tpu.memory_space<semaphore_mem>>
        %dma_wait3A_85 = tpu.memref_squeeze %dma_wait3A_84 : memref<1x!tpu.dma_semaphore, #tpu.memory_space<semaphore_mem>> -> memref<!tpu.dma_semaphore, #tpu.memory_space<semaphore_mem>>
        tpu.wait_indirect_dma semaphore(%dma_wait3A_85 : memref<!tpu.dma_semaphore, #tpu.memory_space<semaphore_mem>>) src(%dma_wait3A_83 : memref<20000x128xf32, #tpu.memory_space<hbm>>) dst(%dma_wait3A_77 : memref<80x128xf32, #tpu.memory_space<vmem>>)
        %sub3A_86 = arith.constant 1 : i32
        %sub3A_87 = arith.subi %scan3A_27, %sub3A_86 : i32
        %dma_start3A_88 = arith.constant 0 : i32
        %dma_start3A_89 = arith.constant 0 : i32
        %dma_start3A_90 = tpu.memref_slice %arg9[%select_n3A_54, %dma_start3A_88, %dma_start3A_89] : memref<3x80x128xf32, #tpu.memory_space<vmem>> -> memref<1x80x128xf32, #tpu.memory_space<vmem>>
        %dma_start3A_91 = tpu.memref_squeeze %dma_start3A_90 : memref<1x80x128xf32, #tpu.memory_space<vmem>> -> memref<80x128xf32, #tpu.memory_space<vmem>>
        %dma_start3A_92 = arith.constant 0 : i32
        %dma_start3A_93 = tpu.memref_slice %arg8[%sub3A_87, %dma_start3A_92] : memref<125x80xi32, #tpu.memory_space<vmem>> -> memref<1x80xi32, #tpu.memory_space<vmem>>
        %dma_start3A_94 = tpu.memref_squeeze %dma_start3A_93 : memref<1x80xi32, #tpu.memory_space<vmem>> -> memref<80xi32, #tpu.memory_space<vmem>>
        %dma_start3A_95 = arith.constant 0 : i32
        %dma_start3A_96 = arith.constant 0 : i32
        %dma_start3A_97 = tpu.memref_slice %arg10[%dma_start3A_95, %dma_start3A_96] : memref<10000x128xf32, #tpu.memory_space<vmem_shared>> -> memref<10000x128xf32, #tpu.memory_space<vmem_shared>>
        %dma_start3A_98 = tpu.memref_slice %arg12[%select_n3A_54] : memref<3x!tpu.dma_semaphore, #tpu.memory_space<semaphore_mem>> -> memref<1x!tpu.dma_semaphore, #tpu.memory_space<semaphore_mem>>
        %dma_start3A_99 = tpu.memref_squeeze %dma_start3A_98 : memref<1x!tpu.dma_semaphore, #tpu.memory_space<semaphore_mem>> -> memref<!tpu.dma_semaphore, #tpu.memory_space<semaphore_mem>>
        tpu.enqueue_indirect_dma source(%dma_start3A_91 : memref<80x128xf32, #tpu.memory_space<vmem>>) target(%dma_start3A_97 : memref<10000x128xf32, #tpu.memory_space<vmem_shared>>) offsets(%dma_start3A_94 : memref<80xi32, #tpu.memory_space<vmem>>) semaphore(%dma_start3A_99 : memref<!tpu.dma_semaphore, #tpu.memory_space<semaphore_mem>>) {add = true}
      } else {
      }
    }
    %scan3A_19 = arith.constant 128 : i32
    %barrier3A_20 = arith.constant 0 : index
    tpu.barrier barrier_id(%barrier3A_20)
    %mul3A_21 = arith.constant 625 : i32
    %mul3A_22 = arith.muli %arg1, %mul3A_21 : i32
    %mul3A_23 = arith.constant 10000 : i32
    %mul3A_24 = arith.muli %arg0, %mul3A_23 : i32
    %mul3A_25 = arith.constant 625 : i32
    %mul3A_26 = arith.muli %arg1, %mul3A_25 : i32
    %add3A = arith.addi %mul3A_24, %mul3A_26 : i32
    "tpu.region"() ({
      %run_scoped3A = tpu.sem_alloc : memref<!tpu.dma_semaphore, #tpu.memory_space<semaphore_mem>>
      %dma_start3A_27 = arith.constant 0 : i32
      %dma_start3A_28 = tpu.memref_slice %arg6[%add3A, %dma_start3A_27] : memref<20000x128xf32, #tpu.memory_space<hbm>> -> memref<625x128xf32, #tpu.memory_space<hbm>>
      %dma_start3A_29 = arith.constant 0 : i32
      %dma_start3A_30 = tpu.memref_slice %arg10[%mul3A_22, %dma_start3A_29] : memref<10000x128xf32, #tpu.memory_space<vmem_shared>> -> memref<625x128xf32, #tpu.memory_space<vmem_shared>>
      tpu.enqueue_dma source(%dma_start3A_30 : memref<625x128xf32, #tpu.memory_space<vmem_shared>>) target(%dma_start3A_28 : memref<625x128xf32, #tpu.memory_space<hbm>>) target_semaphore(%run_scoped3A : memref<!tpu.dma_semaphore, #tpu.memory_space<semaphore_mem>>)
      %dma_wait3A_31 = arith.constant 0 : i32
      %dma_wait3A_32 = tpu.memref_slice %arg6[%add3A, %dma_wait3A_31] : memref<20000x128xf32, #tpu.memory_space<hbm>> -> memref<625x128xf32, #tpu.memory_space<hbm>>
      %dma_wait3A_33 = arith.constant 0 : i32
      %dma_wait3A_34 = tpu.memref_slice %arg10[%mul3A_22, %dma_wait3A_33] : memref<10000x128xf32, #tpu.memory_space<vmem_shared>> -> memref<625x128xf32, #tpu.memory_space<vmem_shared>>
      tpu.wait_dma2 semaphore(%run_scoped3A : memref<!tpu.dma_semaphore, #tpu.memory_space<semaphore_mem>>) src(%dma_wait3A_34 : memref<625x128xf32, #tpu.memory_space<vmem_shared>>) dst(%dma_wait3A_32 : memref<625x128xf32, #tpu.memory_space<hbm>>)
      tpu.yield
    }) : () -> ()
    return
  }
}

#map = affine_map<(d0, d1) -> (0, 0, 0)>
#map1 = affine_map<(d0, d1) -> (0, 0)>
module attributes {stable_mosaic.version = 14 : i64} {
  func.func @_sc_aggregate(%arg0: i32, %arg1: i32, %arg2: memref<2x2000x80xi32, #tpu.memory_space<hbm>>, %arg3: memref<2000x80xi32, #tpu.memory_space<hbm>>, %arg4: memref<20000x128xf32, #tpu.memory_space<hbm>>, %arg5: memref<625x128xf32, #tpu.memory_space<hbm>>, %arg6: memref<20000x128xf32, #tpu.memory_space<hbm>>, %arg7: memref<125x80xi32, #tpu.memory_space<vmem>>, %arg8: memref<125x80xi32, #tpu.memory_space<vmem>>, %arg9: memref<3x80x128xf32, #tpu.memory_space<vmem>>, %arg10: memref<10000x128xf32, #tpu.memory_space<vmem_shared>>, %arg11: memref<3x!tpu.dma_semaphore, #tpu.memory_space<semaphore_mem>>, %arg12: memref<3x!tpu.dma_semaphore, #tpu.memory_space<semaphore_mem>>, %arg13: memref<!tpu.dma_semaphore, #tpu.memory_space<semaphore_mem>>) attributes {dimension_semantics = [#tpu.dimension_semantics<core_parallel>, #tpu.dimension_semantics<subcore_parallel>], iteration_bounds = array<i64: 2, 16>, scalar_prefetch = 0 : i64, scratch_operands = 7 : i64, tpu.core_type = #tpu.core_type<sc_vector_subcore>, window_params = [{transform_indices = #map}, {transform_indices = #map1}, {transform_indices = #map1}, {transform_indices = #map1}, {transform_indices = #map1}]} {
    %mul3A = arith.constant 625 : i32
    %mul3A_0 = arith.muli %arg1, %mul3A : i32
    %dma_start3A = arith.constant 0 : i32
    %dma_start3A_1 = tpu.memref_slice %arg10[%mul3A_0, %dma_start3A] : memref<10000x128xf32, #tpu.memory_space<vmem_shared>> -> memref<625x128xf32, #tpu.memory_space<vmem_shared>>
    tpu.enqueue_dma source(%arg5 : memref<625x128xf32, #tpu.memory_space<hbm>>) target(%dma_start3A_1 : memref<625x128xf32, #tpu.memory_space<vmem_shared>>) target_semaphore(%arg13 : memref<!tpu.dma_semaphore, #tpu.memory_space<semaphore_mem>>)
    %scan3A = arith.constant 0 : i32
    %scan3A_2 = arith.constant 0 : i32
    %scan3A_3 = arith.constant 5 : i32
    %scan3A_4 = arith.addi %scan3A_2, %scan3A_3 : i32
    %scan3A_5 = arith.constant 1 : i32
    scf.for %scan3A_27 = %scan3A_2 to %scan3A_4 step %scan3A_5  : i32 {
      %mul3A_28 = arith.constant 125 : i32
      %mul3A_29 = arith.muli %arg1, %mul3A_28 : i32
      %mul3A_30 = arith.constant 25 : i32
      %mul3A_31 = arith.muli %scan3A_27, %mul3A_30 : i32
      %add3A_32 = arith.addi %mul3A_29, %mul3A_31 : i32
      %mul3A_33 = arith.constant 25 : i32
      %mul3A_34 = arith.muli %scan3A_27, %mul3A_33 : i32
      %dma_start3A_35 = arith.constant 0 : i32
      %dma_start3A_36 = arith.constant 0 : i32
      %dma_start3A_37 = tpu.memref_slice %arg7[%mul3A_34, %dma_start3A_36] : memref<125x80xi32, #tpu.memory_space<vmem>> -> memref<25x80xi32, #tpu.memory_space<vmem>>
      %dma_start3A_38 = arith.constant 0 : i32
      %dma_start3A_39 = tpu.memref_slice %arg2[%arg0, %add3A_32, %dma_start3A_38] : memref<2x2000x80xi32, #tpu.memory_space<hbm>> -> memref<1x25x80xi32, #tpu.memory_space<hbm>>
      %dma_start3A_40 = tpu.memref_squeeze %dma_start3A_39 : memref<1x25x80xi32, #tpu.memory_space<hbm>> -> memref<25x80xi32, #tpu.memory_space<hbm>>
      %dma_start3A_41 = tpu.memref_slice %arg11[%dma_start3A_35] : memref<3x!tpu.dma_semaphore, #tpu.memory_space<semaphore_mem>> -> memref<1x!tpu.dma_semaphore, #tpu.memory_space<semaphore_mem>>
      %dma_start3A_42 = tpu.memref_squeeze %dma_start3A_41 : memref<1x!tpu.dma_semaphore, #tpu.memory_space<semaphore_mem>> -> memref<!tpu.dma_semaphore, #tpu.memory_space<semaphore_mem>>
      %dma_start3A_43 = arith.constant 0 : i32
      %dma_start3A_44 = tpu.memref_slice %arg7[%mul3A_34, %dma_start3A_43] : memref<125x80xi32, #tpu.memory_space<vmem>> -> memref<25x80xi32, #tpu.memory_space<vmem>>
      %dma_start3A_45 = arith.constant 0 : i32
      %dma_start3A_46 = tpu.memref_slice %arg2[%arg0, %add3A_32, %dma_start3A_45] : memref<2x2000x80xi32, #tpu.memory_space<hbm>> -> memref<1x25x80xi32, #tpu.memory_space<hbm>>
      %dma_start3A_47 = tpu.memref_squeeze %dma_start3A_46 : memref<1x25x80xi32, #tpu.memory_space<hbm>> -> memref<25x80xi32, #tpu.memory_space<hbm>>
      tpu.enqueue_dma source(%dma_start3A_47 : memref<25x80xi32, #tpu.memory_space<hbm>>) target(%dma_start3A_44 : memref<25x80xi32, #tpu.memory_space<vmem>>) target_semaphore(%dma_start3A_42 : memref<!tpu.dma_semaphore, #tpu.memory_space<semaphore_mem>>)
      %mul3A_48 = arith.constant 125 : i32
      %mul3A_49 = arith.muli %arg1, %mul3A_48 : i32
      %mul3A_50 = arith.constant 25 : i32
      %mul3A_51 = arith.muli %scan3A_27, %mul3A_50 : i32
      %add3A_52 = arith.addi %mul3A_49, %mul3A_51 : i32
      %mul3A_53 = arith.constant 25 : i32
      %mul3A_54 = arith.muli %scan3A_27, %mul3A_53 : i32
      %dma_start3A_55 = arith.constant 1 : i32
      %dma_start3A_56 = arith.constant 0 : i32
      %dma_start3A_57 = tpu.memref_slice %arg8[%mul3A_54, %dma_start3A_56] : memref<125x80xi32, #tpu.memory_space<vmem>> -> memref<25x80xi32, #tpu.memory_space<vmem>>
      %dma_start3A_58 = arith.constant 0 : i32
      %dma_start3A_59 = tpu.memref_slice %arg3[%add3A_52, %dma_start3A_58] : memref<2000x80xi32, #tpu.memory_space<hbm>> -> memref<25x80xi32, #tpu.memory_space<hbm>>
      %dma_start3A_60 = tpu.memref_slice %arg11[%dma_start3A_55] : memref<3x!tpu.dma_semaphore, #tpu.memory_space<semaphore_mem>> -> memref<1x!tpu.dma_semaphore, #tpu.memory_space<semaphore_mem>>
      %dma_start3A_61 = tpu.memref_squeeze %dma_start3A_60 : memref<1x!tpu.dma_semaphore, #tpu.memory_space<semaphore_mem>> -> memref<!tpu.dma_semaphore, #tpu.memory_space<semaphore_mem>>
      %dma_start3A_62 = arith.constant 0 : i32
      %dma_start3A_63 = tpu.memref_slice %arg8[%mul3A_54, %dma_start3A_62] : memref<125x80xi32, #tpu.memory_space<vmem>> -> memref<25x80xi32, #tpu.memory_space<vmem>>
      %dma_start3A_64 = arith.constant 0 : i32
      %dma_start3A_65 = tpu.memref_slice %arg3[%add3A_52, %dma_start3A_64] : memref<2000x80xi32, #tpu.memory_space<hbm>> -> memref<25x80xi32, #tpu.memory_space<hbm>>
      tpu.enqueue_dma source(%dma_start3A_65 : memref<25x80xi32, #tpu.memory_space<hbm>>) target(%dma_start3A_63 : memref<25x80xi32, #tpu.memory_space<vmem>>) target_semaphore(%dma_start3A_61 : memref<!tpu.dma_semaphore, #tpu.memory_space<semaphore_mem>>)
    }
    %scan3A_6 = arith.constant 5 : i32
    %scan3A_7 = arith.constant 0 : i32
    %scan3A_8 = arith.constant 0 : i32
    %scan3A_9 = arith.constant 5 : i32
    %scan3A_10 = arith.addi %scan3A_8, %scan3A_9 : i32
    %scan3A_11 = arith.constant 1 : i32
    scf.for %scan3A_27 = %scan3A_8 to %scan3A_10 step %scan3A_11  : i32 {
      %mul3A_28 = arith.constant 125 : i32
      %mul3A_29 = arith.muli %arg1, %mul3A_28 : i32
      %mul3A_30 = arith.constant 25 : i32
      %mul3A_31 = arith.muli %scan3A_27, %mul3A_30 : i32
      %add3A_32 = arith.addi %mul3A_29, %mul3A_31 : i32
      %mul3A_33 = arith.constant 25 : i32
      %mul3A_34 = arith.muli %scan3A_27, %mul3A_33 : i32
      %dma_wait3A_35 = arith.constant 0 : i32
      %dma_wait3A_36 = arith.constant 0 : i32
      %dma_wait3A_37 = tpu.memref_slice %arg7[%mul3A_34, %dma_wait3A_36] : memref<125x80xi32, #tpu.memory_space<vmem>> -> memref<25x80xi32, #tpu.memory_space<vmem>>
      %dma_wait3A_38 = arith.constant 0 : i32
      %dma_wait3A_39 = tpu.memref_slice %arg2[%arg0, %add3A_32, %dma_wait3A_38] : memref<2x2000x80xi32, #tpu.memory_space<hbm>> -> memref<1x25x80xi32, #tpu.memory_space<hbm>>
      %dma_wait3A_40 = tpu.memref_squeeze %dma_wait3A_39 : memref<1x25x80xi32, #tpu.memory_space<hbm>> -> memref<25x80xi32, #tpu.memory_space<hbm>>
      %dma_wait3A_41 = tpu.memref_slice %arg11[%dma_wait3A_35] : memref<3x!tpu.dma_semaphore, #tpu.memory_space<semaphore_mem>> -> memref<1x!tpu.dma_semaphore, #tpu.memory_space<semaphore_mem>>
      %dma_wait3A_42 = tpu.memref_squeeze %dma_wait3A_41 : memref<1x!tpu.dma_semaphore, #tpu.memory_space<semaphore_mem>> -> memref<!tpu.dma_semaphore, #tpu.memory_space<semaphore_mem>>
      %dma_wait3A_43 = arith.constant 0 : i32
      %dma_wait3A_44 = tpu.memref_slice %arg7[%mul3A_34, %dma_wait3A_43] : memref<125x80xi32, #tpu.memory_space<vmem>> -> memref<25x80xi32, #tpu.memory_space<vmem>>
      %dma_wait3A_45 = arith.constant 0 : i32
      %dma_wait3A_46 = tpu.memref_slice %arg2[%arg0, %add3A_32, %dma_wait3A_45] : memref<2x2000x80xi32, #tpu.memory_space<hbm>> -> memref<1x25x80xi32, #tpu.memory_space<hbm>>
      %dma_wait3A_47 = tpu.memref_squeeze %dma_wait3A_46 : memref<1x25x80xi32, #tpu.memory_space<hbm>> -> memref<25x80xi32, #tpu.memory_space<hbm>>
      tpu.wait_dma2 semaphore(%dma_wait3A_42 : memref<!tpu.dma_semaphore, #tpu.memory_space<semaphore_mem>>) src(%dma_wait3A_47 : memref<25x80xi32, #tpu.memory_space<hbm>>) dst(%dma_wait3A_44 : memref<25x80xi32, #tpu.memory_space<vmem>>)
      %mul3A_48 = arith.constant 125 : i32
      %mul3A_49 = arith.muli %arg1, %mul3A_48 : i32
      %mul3A_50 = arith.constant 25 : i32
      %mul3A_51 = arith.muli %scan3A_27, %mul3A_50 : i32
      %add3A_52 = arith.addi %mul3A_49, %mul3A_51 : i32
      %mul3A_53 = arith.constant 25 : i32
      %mul3A_54 = arith.muli %scan3A_27, %mul3A_53 : i32
      %dma_wait3A_55 = arith.constant 1 : i32
      %dma_wait3A_56 = arith.constant 0 : i32
      %dma_wait3A_57 = tpu.memref_slice %arg8[%mul3A_54, %dma_wait3A_56] : memref<125x80xi32, #tpu.memory_space<vmem>> -> memref<25x80xi32, #tpu.memory_space<vmem>>
      %dma_wait3A_58 = arith.constant 0 : i32
      %dma_wait3A_59 = tpu.memref_slice %arg3[%add3A_52, %dma_wait3A_58] : memref<2000x80xi32, #tpu.memory_space<hbm>> -> memref<25x80xi32, #tpu.memory_space<hbm>>
      %dma_wait3A_60 = tpu.memref_slice %arg11[%dma_wait3A_55] : memref<3x!tpu.dma_semaphore, #tpu.memory_space<semaphore_mem>> -> memref<1x!tpu.dma_semaphore, #tpu.memory_space<semaphore_mem>>
      %dma_wait3A_61 = tpu.memref_squeeze %dma_wait3A_60 : memref<1x!tpu.dma_semaphore, #tpu.memory_space<semaphore_mem>> -> memref<!tpu.dma_semaphore, #tpu.memory_space<semaphore_mem>>
      %dma_wait3A_62 = arith.constant 0 : i32
      %dma_wait3A_63 = tpu.memref_slice %arg8[%mul3A_54, %dma_wait3A_62] : memref<125x80xi32, #tpu.memory_space<vmem>> -> memref<25x80xi32, #tpu.memory_space<vmem>>
      %dma_wait3A_64 = arith.constant 0 : i32
      %dma_wait3A_65 = tpu.memref_slice %arg3[%add3A_52, %dma_wait3A_64] : memref<2000x80xi32, #tpu.memory_space<hbm>> -> memref<25x80xi32, #tpu.memory_space<hbm>>
      tpu.wait_dma2 semaphore(%dma_wait3A_61 : memref<!tpu.dma_semaphore, #tpu.memory_space<semaphore_mem>>) src(%dma_wait3A_65 : memref<25x80xi32, #tpu.memory_space<hbm>>) dst(%dma_wait3A_63 : memref<25x80xi32, #tpu.memory_space<vmem>>)
    }
    %scan3A_12 = arith.constant 5 : i32
    %dma_wait3A = arith.constant 0 : i32
    %dma_wait3A_13 = tpu.memref_slice %arg10[%mul3A_0, %dma_wait3A] : memref<10000x128xf32, #tpu.memory_space<vmem_shared>> -> memref<625x128xf32, #tpu.memory_space<vmem_shared>>
    tpu.wait_dma2 semaphore(%arg13 : memref<!tpu.dma_semaphore, #tpu.memory_space<semaphore_mem>>) src(%arg5 : memref<625x128xf32, #tpu.memory_space<hbm>>) dst(%dma_wait3A_13 : memref<625x128xf32, #tpu.memory_space<vmem_shared>>)
    %barrier3A = arith.constant 0 : index
    tpu.barrier barrier_id(%barrier3A)
    %scan3A_14 = arith.constant 0 : i32
    %scan3A_15 = arith.constant 0 : i32
    %scan3A_16 = arith.constant 128 : i32
    %scan3A_17 = arith.addi %scan3A_15, %scan3A_16 : i32
    %scan3A_18 = arith.constant 1 : i32
    scf.for %scan3A_27 = %scan3A_15 to %scan3A_17 step %scan3A_18  : i32 {
      %jit3A = arith.constant 3 : i32
      %eq3A = arith.constant 0 : i32
      %eq3A_28 = arith.cmpi eq, %jit3A, %eq3A : i32
      %jit3A_29 = arith.constant 1 : i32
      %select_n3A = arith.select %eq3A_28, %jit3A_29, %jit3A : i32
      %rem3A = arith.remsi %scan3A_27, %select_n3A : i32
      %ne3A = arith.constant 0 : i32
      %ne3A_30 = arith.cmpi ne, %rem3A, %ne3A : i32
      %lt3A = arith.constant 0 : i32
      %lt3A_31 = arith.cmpi slt, %rem3A, %lt3A : i32
      %lt3A_32 = arith.constant 0 : i32
      %lt3A_33 = arith.cmpi slt, %select_n3A, %lt3A_32 : i32
      %ne3A_34 = arith.xori %lt3A_31, %lt3A_33 : i1
      %and3A = arith.andi %ne3A_34, %ne3A_30 : i1
      %add3A_35 = arith.addi %rem3A, %select_n3A : i32
      %select_n3A_36 = arith.select %and3A, %add3A_35, %rem3A : i32
      %add3A_37 = arith.constant 2 : i32
      %add3A_38 = arith.addi %scan3A_27, %add3A_37 : i32
      %jit3A_39 = arith.constant 3 : i32
      %eq3A_40 = arith.constant 0 : i32
      %eq3A_41 = arith.cmpi eq, %jit3A_39, %eq3A_40 : i32
      %jit3A_42 = arith.constant 1 : i32
      %select_n3A_43 = arith.select %eq3A_41, %jit3A_42, %jit3A_39 : i32
      %rem3A_44 = arith.remsi %add3A_38, %select_n3A_43 : i32
      %ne3A_45 = arith.constant 0 : i32
      %ne3A_46 = arith.cmpi ne, %rem3A_44, %ne3A_45 : i32
      %lt3A_47 = arith.constant 0 : i32
      %lt3A_48 = arith.cmpi slt, %rem3A_44, %lt3A_47 : i32
      %lt3A_49 = arith.constant 0 : i32
      %lt3A_50 = arith.cmpi slt, %select_n3A_43, %lt3A_49 : i32
      %ne3A_51 = arith.xori %lt3A_48, %lt3A_50 : i1
      %and3A_52 = arith.andi %ne3A_51, %ne3A_46 : i1
      %add3A_53 = arith.addi %rem3A_44, %select_n3A_43 : i32
      %select_n3A_54 = arith.select %and3A_52, %add3A_53, %rem3A_44 : i32
      %ge3A = arith.constant 3 : i32
      %ge3A_55 = arith.cmpi sge, %scan3A_27, %ge3A : i32
      %sub3A = arith.constant 3 : i32
      %sub3A_56 = arith.subi %scan3A_27, %sub3A : i32
      %lt3A_57 = arith.constant 125 : i32
      %lt3A_58 = arith.cmpi slt, %sub3A_56, %lt3A_57 : i32
      %and3A_59 = arith.andi %ge3A_55, %lt3A_58 : i1
      %convert_element_type3A = arith.extui %and3A_59 : i1 to i32
      %cond3A = arith.constant 0 : i32
      %cond3A_60 = arith.cmpi ne, %convert_element_type3A, %cond3A : i32
      scf.if %cond3A_60 {
        %sub3A_72 = arith.constant 3 : i32
        %sub3A_73 = arith.subi %scan3A_27, %sub3A_72 : i32
        %dma_wait3A_74 = arith.constant 0 : i32
        %dma_wait3A_75 = arith.constant 0 : i32
        %dma_wait3A_76 = tpu.memref_slice %arg9[%select_n3A_36, %dma_wait3A_74, %dma_wait3A_75] : memref<3x80x128xf32, #tpu.memory_space<vmem>> -> memref<1x80x128xf32, #tpu.memory_space<vmem>>
        %dma_wait3A_77 = tpu.memref_squeeze %dma_wait3A_76 : memref<1x80x128xf32, #tpu.memory_space<vmem>> -> memref<80x128xf32, #tpu.memory_space<vmem>>
        %dma_wait3A_78 = arith.constant 0 : i32
        %dma_wait3A_79 = tpu.memref_slice %arg8[%sub3A_73, %dma_wait3A_78] : memref<125x80xi32, #tpu.memory_space<vmem>> -> memref<1x80xi32, #tpu.memory_space<vmem>>
        %dma_wait3A_80 = tpu.memref_squeeze %dma_wait3A_79 : memref<1x80xi32, #tpu.memory_space<vmem>> -> memref<80xi32, #tpu.memory_space<vmem>>
        %dma_wait3A_81 = arith.constant 0 : i32
        %dma_wait3A_82 = arith.constant 0 : i32
        %dma_wait3A_83 = tpu.memref_slice %arg10[%dma_wait3A_81, %dma_wait3A_82] : memref<10000x128xf32, #tpu.memory_space<vmem_shared>> -> memref<10000x128xf32, #tpu.memory_space<vmem_shared>>
        %dma_wait3A_84 = tpu.memref_slice %arg12[%select_n3A_36] : memref<3x!tpu.dma_semaphore, #tpu.memory_space<semaphore_mem>> -> memref<1x!tpu.dma_semaphore, #tpu.memory_space<semaphore_mem>>
        %dma_wait3A_85 = tpu.memref_squeeze %dma_wait3A_84 : memref<1x!tpu.dma_semaphore, #tpu.memory_space<semaphore_mem>> -> memref<!tpu.dma_semaphore, #tpu.memory_space<semaphore_mem>>
        tpu.wait_indirect_dma semaphore(%dma_wait3A_85 : memref<!tpu.dma_semaphore, #tpu.memory_space<semaphore_mem>>) src(%dma_wait3A_77 : memref<80x128xf32, #tpu.memory_space<vmem>>) dst(%dma_wait3A_83 : memref<10000x128xf32, #tpu.memory_space<vmem_shared>>)
      } else {
      }
      %lt3A_61 = arith.constant 125 : i32
      %lt3A_62 = arith.cmpi slt, %scan3A_27, %lt3A_61 : i32
      %convert_element_type3A_63 = arith.extui %lt3A_62 : i1 to i32
      %cond3A_64 = arith.constant 0 : i32
      %cond3A_65 = arith.cmpi ne, %convert_element_type3A_63, %cond3A_64 : i32
      scf.if %cond3A_65 {
        %dma_start3A_72 = arith.constant 0 : i32
        %dma_start3A_73 = arith.constant 0 : i32
        %dma_start3A_74 = tpu.memref_slice %arg9[%select_n3A_36, %dma_start3A_72, %dma_start3A_73] : memref<3x80x128xf32, #tpu.memory_space<vmem>> -> memref<1x80x128xf32, #tpu.memory_space<vmem>>
        %dma_start3A_75 = tpu.memref_squeeze %dma_start3A_74 : memref<1x80x128xf32, #tpu.memory_space<vmem>> -> memref<80x128xf32, #tpu.memory_space<vmem>>
        %dma_start3A_76 = arith.constant 0 : i32
        %dma_start3A_77 = tpu.memref_slice %arg7[%scan3A_27, %dma_start3A_76] : memref<125x80xi32, #tpu.memory_space<vmem>> -> memref<1x80xi32, #tpu.memory_space<vmem>>
        %dma_start3A_78 = tpu.memref_squeeze %dma_start3A_77 : memref<1x80xi32, #tpu.memory_space<vmem>> -> memref<80xi32, #tpu.memory_space<vmem>>
        %dma_start3A_79 = arith.constant 0 : i32
        %dma_start3A_80 = arith.constant 0 : i32
        %dma_start3A_81 = tpu.memref_slice %arg4[%dma_start3A_79, %dma_start3A_80] : memref<20000x128xf32, #tpu.memory_space<hbm>> -> memref<20000x128xf32, #tpu.memory_space<hbm>>
        %dma_start3A_82 = tpu.memref_slice %arg11[%select_n3A_36] : memref<3x!tpu.dma_semaphore, #tpu.memory_space<semaphore_mem>> -> memref<1x!tpu.dma_semaphore, #tpu.memory_space<semaphore_mem>>
        %dma_start3A_83 = tpu.memref_squeeze %dma_start3A_82 : memref<1x!tpu.dma_semaphore, #tpu.memory_space<semaphore_mem>> -> memref<!tpu.dma_semaphore, #tpu.memory_space<semaphore_mem>>
        tpu.enqueue_indirect_dma source(%dma_start3A_81 : memref<20000x128xf32, #tpu.memory_space<hbm>>) target(%dma_start3A_75 : memref<80x128xf32, #tpu.memory_space<vmem>>) offsets(%dma_start3A_78 : memref<80xi32, #tpu.memory_space<vmem>>) semaphore(%dma_start3A_83 : memref<!tpu.dma_semaphore, #tpu.memory_space<semaphore_mem>>)
      } else {
      }
      %gt3A = arith.constant 0 : i32
      %gt3A_66 = arith.cmpi sgt, %scan3A_27, %gt3A : i32
      %le3A = arith.constant 125 : i32
      %le3A_67 = arith.cmpi sle, %scan3A_27, %le3A : i32
      %and3A_68 = arith.andi %gt3A_66, %le3A_67 : i1
      %convert_element_type3A_69 = arith.extui %and3A_68 : i1 to i32
      %cond3A_70 = arith.constant 0 : i32
      %cond3A_71 = arith.cmpi ne, %convert_element_type3A_69, %cond3A_70 : i32
      scf.if %cond3A_71 {
        %sub3A_72 = arith.constant 1 : i32
        %sub3A_73 = arith.subi %scan3A_27, %sub3A_72 : i32
        %dma_wait3A_74 = arith.constant 0 : i32
        %dma_wait3A_75 = arith.constant 0 : i32
        %dma_wait3A_76 = tpu.memref_slice %arg9[%select_n3A_54, %dma_wait3A_74, %dma_wait3A_75] : memref<3x80x128xf32, #tpu.memory_space<vmem>> -> memref<1x80x128xf32, #tpu.memory_space<vmem>>
        %dma_wait3A_77 = tpu.memref_squeeze %dma_wait3A_76 : memref<1x80x128xf32, #tpu.memory_space<vmem>> -> memref<80x128xf32, #tpu.memory_space<vmem>>
        %dma_wait3A_78 = arith.constant 0 : i32
        %dma_wait3A_79 = tpu.memref_slice %arg7[%sub3A_73, %dma_wait3A_78] : memref<125x80xi32, #tpu.memory_space<vmem>> -> memref<1x80xi32, #tpu.memory_space<vmem>>
        %dma_wait3A_80 = tpu.memref_squeeze %dma_wait3A_79 : memref<1x80xi32, #tpu.memory_space<vmem>> -> memref<80xi32, #tpu.memory_space<vmem>>
        %dma_wait3A_81 = arith.constant 0 : i32
        %dma_wait3A_82 = arith.constant 0 : i32
        %dma_wait3A_83 = tpu.memref_slice %arg4[%dma_wait3A_81, %dma_wait3A_82] : memref<20000x128xf32, #tpu.memory_space<hbm>> -> memref<20000x128xf32, #tpu.memory_space<hbm>>
        %dma_wait3A_84 = tpu.memref_slice %arg11[%select_n3A_54] : memref<3x!tpu.dma_semaphore, #tpu.memory_space<semaphore_mem>> -> memref<1x!tpu.dma_semaphore, #tpu.memory_space<semaphore_mem>>
        %dma_wait3A_85 = tpu.memref_squeeze %dma_wait3A_84 : memref<1x!tpu.dma_semaphore, #tpu.memory_space<semaphore_mem>> -> memref<!tpu.dma_semaphore, #tpu.memory_space<semaphore_mem>>
        tpu.wait_indirect_dma semaphore(%dma_wait3A_85 : memref<!tpu.dma_semaphore, #tpu.memory_space<semaphore_mem>>) src(%dma_wait3A_83 : memref<20000x128xf32, #tpu.memory_space<hbm>>) dst(%dma_wait3A_77 : memref<80x128xf32, #tpu.memory_space<vmem>>)
        %sub3A_86 = arith.constant 1 : i32
        %sub3A_87 = arith.subi %scan3A_27, %sub3A_86 : i32
        %dma_start3A_88 = arith.constant 0 : i32
        %dma_start3A_89 = arith.constant 0 : i32
        %dma_start3A_90 = tpu.memref_slice %arg9[%select_n3A_54, %dma_start3A_88, %dma_start3A_89] : memref<3x80x128xf32, #tpu.memory_space<vmem>> -> memref<1x80x128xf32, #tpu.memory_space<vmem>>
        %dma_start3A_91 = tpu.memref_squeeze %dma_start3A_90 : memref<1x80x128xf32, #tpu.memory_space<vmem>> -> memref<80x128xf32, #tpu.memory_space<vmem>>
        %dma_start3A_92 = arith.constant 0 : i32
        %dma_start3A_93 = tpu.memref_slice %arg8[%sub3A_87, %dma_start3A_92] : memref<125x80xi32, #tpu.memory_space<vmem>> -> memref<1x80xi32, #tpu.memory_space<vmem>>
        %dma_start3A_94 = tpu.memref_squeeze %dma_start3A_93 : memref<1x80xi32, #tpu.memory_space<vmem>> -> memref<80xi32, #tpu.memory_space<vmem>>
        %dma_start3A_95 = arith.constant 0 : i32
        %dma_start3A_96 = arith.constant 0 : i32
        %dma_start3A_97 = tpu.memref_slice %arg10[%dma_start3A_95, %dma_start3A_96] : memref<10000x128xf32, #tpu.memory_space<vmem_shared>> -> memref<10000x128xf32, #tpu.memory_space<vmem_shared>>
        %dma_start3A_98 = tpu.memref_slice %arg12[%select_n3A_54] : memref<3x!tpu.dma_semaphore, #tpu.memory_space<semaphore_mem>> -> memref<1x!tpu.dma_semaphore, #tpu.memory_space<semaphore_mem>>
        %dma_start3A_99 = tpu.memref_squeeze %dma_start3A_98 : memref<1x!tpu.dma_semaphore, #tpu.memory_space<semaphore_mem>> -> memref<!tpu.dma_semaphore, #tpu.memory_space<semaphore_mem>>
        tpu.enqueue_indirect_dma source(%dma_start3A_91 : memref<80x128xf32, #tpu.memory_space<vmem>>) target(%dma_start3A_97 : memref<10000x128xf32, #tpu.memory_space<vmem_shared>>) offsets(%dma_start3A_94 : memref<80xi32, #tpu.memory_space<vmem>>) semaphore(%dma_start3A_99 : memref<!tpu.dma_semaphore, #tpu.memory_space<semaphore_mem>>) {add = true}
      } else {
      }
    }
    %scan3A_19 = arith.constant 128 : i32
    %barrier3A_20 = arith.constant 0 : index
    tpu.barrier barrier_id(%barrier3A_20)
    %mul3A_21 = arith.constant 625 : i32
    %mul3A_22 = arith.muli %arg1, %mul3A_21 : i32
    %mul3A_23 = arith.constant 10000 : i32
    %mul3A_24 = arith.muli %arg0, %mul3A_23 : i32
    %mul3A_25 = arith.constant 625 : i32
    %mul3A_26 = arith.muli %arg1, %mul3A_25 : i32
    %add3A = arith.addi %mul3A_24, %mul3A_26 : i32
    "tpu.region"() ({
      %run_scoped3A = tpu.sem_alloc : memref<!tpu.dma_semaphore, #tpu.memory_space<semaphore_mem>>
      %dma_start3A_27 = arith.constant 0 : i32
      %dma_start3A_28 = tpu.memref_slice %arg6[%add3A, %dma_start3A_27] : memref<20000x128xf32, #tpu.memory_space<hbm>> -> memref<625x128xf32, #tpu.memory_space<hbm>>
      %dma_start3A_29 = arith.constant 0 : i32
      %dma_start3A_30 = tpu.memref_slice %arg10[%mul3A_22, %dma_start3A_29] : memref<10000x128xf32, #tpu.memory_space<vmem_shared>> -> memref<625x128xf32, #tpu.memory_space<vmem_shared>>
      tpu.enqueue_dma source(%dma_start3A_30 : memref<625x128xf32, #tpu.memory_space<vmem_shared>>) target(%dma_start3A_28 : memref<625x128xf32, #tpu.memory_space<hbm>>) target_semaphore(%run_scoped3A : memref<!tpu.dma_semaphore, #tpu.memory_space<semaphore_mem>>)
      %dma_wait3A_31 = arith.constant 0 : i32
      %dma_wait3A_32 = tpu.memref_slice %arg6[%add3A, %dma_wait3A_31] : memref<20000x128xf32, #tpu.memory_space<hbm>> -> memref<625x128xf32, #tpu.memory_space<hbm>>
      %dma_wait3A_33 = arith.constant 0 : i32
      %dma_wait3A_34 = tpu.memref_slice %arg10[%mul3A_22, %dma_wait3A_33] : memref<10000x128xf32, #tpu.memory_space<vmem_shared>> -> memref<625x128xf32, #tpu.memory_space<vmem_shared>>
      tpu.wait_dma2 semaphore(%run_scoped3A : memref<!tpu.dma_semaphore, #tpu.memory_space<semaphore_mem>>) src(%dma_wait3A_34 : memref<625x128xf32, #tpu.memory_space<vmem_shared>>) dst(%dma_wait3A_32 : memref<625x128xf32, #tpu.memory_space<hbm>>)
      tpu.yield
    }) : () -> ()
    return
  }
}

#map = affine_map<(d0, d1) -> (0, 0, 0)>
#map1 = affine_map<(d0, d1) -> (0, 0)>
module attributes {stable_mosaic.version = 14 : i64} {
  func.func @_sc_aggregate(%arg0: i32, %arg1: i32, %arg2: memref<2x2000x80xi32, #tpu.memory_space<hbm>>, %arg3: memref<2000x80xi32, #tpu.memory_space<hbm>>, %arg4: memref<20000x128xf32, #tpu.memory_space<hbm>>, %arg5: memref<625x128xf32, #tpu.memory_space<hbm>>, %arg6: memref<20000x128xf32, #tpu.memory_space<hbm>>, %arg7: memref<125x80xi32, #tpu.memory_space<vmem>>, %arg8: memref<125x80xi32, #tpu.memory_space<vmem>>, %arg9: memref<3x80x128xf32, #tpu.memory_space<vmem>>, %arg10: memref<10000x128xf32, #tpu.memory_space<vmem_shared>>, %arg11: memref<3x!tpu.dma_semaphore, #tpu.memory_space<semaphore_mem>>, %arg12: memref<3x!tpu.dma_semaphore, #tpu.memory_space<semaphore_mem>>, %arg13: memref<!tpu.dma_semaphore, #tpu.memory_space<semaphore_mem>>) attributes {dimension_semantics = [#tpu.dimension_semantics<core_parallel>, #tpu.dimension_semantics<subcore_parallel>], iteration_bounds = array<i64: 2, 16>, scalar_prefetch = 0 : i64, scratch_operands = 7 : i64, tpu.core_type = #tpu.core_type<sc_vector_subcore>, window_params = [{transform_indices = #map}, {transform_indices = #map1}, {transform_indices = #map1}, {transform_indices = #map1}, {transform_indices = #map1}]} {
    %mul3A = arith.constant 625 : i32
    %mul3A_0 = arith.muli %arg1, %mul3A : i32
    %dma_start3A = arith.constant 0 : i32
    %dma_start3A_1 = tpu.memref_slice %arg10[%mul3A_0, %dma_start3A] : memref<10000x128xf32, #tpu.memory_space<vmem_shared>> -> memref<625x128xf32, #tpu.memory_space<vmem_shared>>
    tpu.enqueue_dma source(%arg5 : memref<625x128xf32, #tpu.memory_space<hbm>>) target(%dma_start3A_1 : memref<625x128xf32, #tpu.memory_space<vmem_shared>>) target_semaphore(%arg13 : memref<!tpu.dma_semaphore, #tpu.memory_space<semaphore_mem>>)
    %scan3A = arith.constant 0 : i32
    %scan3A_2 = arith.constant 0 : i32
    %scan3A_3 = arith.constant 5 : i32
    %scan3A_4 = arith.addi %scan3A_2, %scan3A_3 : i32
    %scan3A_5 = arith.constant 1 : i32
    scf.for %scan3A_27 = %scan3A_2 to %scan3A_4 step %scan3A_5  : i32 {
      %mul3A_28 = arith.constant 125 : i32
      %mul3A_29 = arith.muli %arg1, %mul3A_28 : i32
      %mul3A_30 = arith.constant 25 : i32
      %mul3A_31 = arith.muli %scan3A_27, %mul3A_30 : i32
      %add3A_32 = arith.addi %mul3A_29, %mul3A_31 : i32
      %mul3A_33 = arith.constant 25 : i32
      %mul3A_34 = arith.muli %scan3A_27, %mul3A_33 : i32
      %dma_start3A_35 = arith.constant 0 : i32
      %dma_start3A_36 = arith.constant 0 : i32
      %dma_start3A_37 = tpu.memref_slice %arg7[%mul3A_34, %dma_start3A_36] : memref<125x80xi32, #tpu.memory_space<vmem>> -> memref<25x80xi32, #tpu.memory_space<vmem>>
      %dma_start3A_38 = arith.constant 0 : i32
      %dma_start3A_39 = tpu.memref_slice %arg2[%arg0, %add3A_32, %dma_start3A_38] : memref<2x2000x80xi32, #tpu.memory_space<hbm>> -> memref<1x25x80xi32, #tpu.memory_space<hbm>>
      %dma_start3A_40 = tpu.memref_squeeze %dma_start3A_39 : memref<1x25x80xi32, #tpu.memory_space<hbm>> -> memref<25x80xi32, #tpu.memory_space<hbm>>
      %dma_start3A_41 = tpu.memref_slice %arg11[%dma_start3A_35] : memref<3x!tpu.dma_semaphore, #tpu.memory_space<semaphore_mem>> -> memref<1x!tpu.dma_semaphore, #tpu.memory_space<semaphore_mem>>
      %dma_start3A_42 = tpu.memref_squeeze %dma_start3A_41 : memref<1x!tpu.dma_semaphore, #tpu.memory_space<semaphore_mem>> -> memref<!tpu.dma_semaphore, #tpu.memory_space<semaphore_mem>>
      %dma_start3A_43 = arith.constant 0 : i32
      %dma_start3A_44 = tpu.memref_slice %arg7[%mul3A_34, %dma_start3A_43] : memref<125x80xi32, #tpu.memory_space<vmem>> -> memref<25x80xi32, #tpu.memory_space<vmem>>
      %dma_start3A_45 = arith.constant 0 : i32
      %dma_start3A_46 = tpu.memref_slice %arg2[%arg0, %add3A_32, %dma_start3A_45] : memref<2x2000x80xi32, #tpu.memory_space<hbm>> -> memref<1x25x80xi32, #tpu.memory_space<hbm>>
      %dma_start3A_47 = tpu.memref_squeeze %dma_start3A_46 : memref<1x25x80xi32, #tpu.memory_space<hbm>> -> memref<25x80xi32, #tpu.memory_space<hbm>>
      tpu.enqueue_dma source(%dma_start3A_47 : memref<25x80xi32, #tpu.memory_space<hbm>>) target(%dma_start3A_44 : memref<25x80xi32, #tpu.memory_space<vmem>>) target_semaphore(%dma_start3A_42 : memref<!tpu.dma_semaphore, #tpu.memory_space<semaphore_mem>>)
      %mul3A_48 = arith.constant 125 : i32
      %mul3A_49 = arith.muli %arg1, %mul3A_48 : i32
      %mul3A_50 = arith.constant 25 : i32
      %mul3A_51 = arith.muli %scan3A_27, %mul3A_50 : i32
      %add3A_52 = arith.addi %mul3A_49, %mul3A_51 : i32
      %mul3A_53 = arith.constant 25 : i32
      %mul3A_54 = arith.muli %scan3A_27, %mul3A_53 : i32
      %dma_start3A_55 = arith.constant 1 : i32
      %dma_start3A_56 = arith.constant 0 : i32
      %dma_start3A_57 = tpu.memref_slice %arg8[%mul3A_54, %dma_start3A_56] : memref<125x80xi32, #tpu.memory_space<vmem>> -> memref<25x80xi32, #tpu.memory_space<vmem>>
      %dma_start3A_58 = arith.constant 0 : i32
      %dma_start3A_59 = tpu.memref_slice %arg3[%add3A_52, %dma_start3A_58] : memref<2000x80xi32, #tpu.memory_space<hbm>> -> memref<25x80xi32, #tpu.memory_space<hbm>>
      %dma_start3A_60 = tpu.memref_slice %arg11[%dma_start3A_55] : memref<3x!tpu.dma_semaphore, #tpu.memory_space<semaphore_mem>> -> memref<1x!tpu.dma_semaphore, #tpu.memory_space<semaphore_mem>>
      %dma_start3A_61 = tpu.memref_squeeze %dma_start3A_60 : memref<1x!tpu.dma_semaphore, #tpu.memory_space<semaphore_mem>> -> memref<!tpu.dma_semaphore, #tpu.memory_space<semaphore_mem>>
      %dma_start3A_62 = arith.constant 0 : i32
      %dma_start3A_63 = tpu.memref_slice %arg8[%mul3A_54, %dma_start3A_62] : memref<125x80xi32, #tpu.memory_space<vmem>> -> memref<25x80xi32, #tpu.memory_space<vmem>>
      %dma_start3A_64 = arith.constant 0 : i32
      %dma_start3A_65 = tpu.memref_slice %arg3[%add3A_52, %dma_start3A_64] : memref<2000x80xi32, #tpu.memory_space<hbm>> -> memref<25x80xi32, #tpu.memory_space<hbm>>
      tpu.enqueue_dma source(%dma_start3A_65 : memref<25x80xi32, #tpu.memory_space<hbm>>) target(%dma_start3A_63 : memref<25x80xi32, #tpu.memory_space<vmem>>) target_semaphore(%dma_start3A_61 : memref<!tpu.dma_semaphore, #tpu.memory_space<semaphore_mem>>)
    }
    %scan3A_6 = arith.constant 5 : i32
    %scan3A_7 = arith.constant 0 : i32
    %scan3A_8 = arith.constant 0 : i32
    %scan3A_9 = arith.constant 5 : i32
    %scan3A_10 = arith.addi %scan3A_8, %scan3A_9 : i32
    %scan3A_11 = arith.constant 1 : i32
    scf.for %scan3A_27 = %scan3A_8 to %scan3A_10 step %scan3A_11  : i32 {
      %mul3A_28 = arith.constant 125 : i32
      %mul3A_29 = arith.muli %arg1, %mul3A_28 : i32
      %mul3A_30 = arith.constant 25 : i32
      %mul3A_31 = arith.muli %scan3A_27, %mul3A_30 : i32
      %add3A_32 = arith.addi %mul3A_29, %mul3A_31 : i32
      %mul3A_33 = arith.constant 25 : i32
      %mul3A_34 = arith.muli %scan3A_27, %mul3A_33 : i32
      %dma_wait3A_35 = arith.constant 0 : i32
      %dma_wait3A_36 = arith.constant 0 : i32
      %dma_wait3A_37 = tpu.memref_slice %arg7[%mul3A_34, %dma_wait3A_36] : memref<125x80xi32, #tpu.memory_space<vmem>> -> memref<25x80xi32, #tpu.memory_space<vmem>>
      %dma_wait3A_38 = arith.constant 0 : i32
      %dma_wait3A_39 = tpu.memref_slice %arg2[%arg0, %add3A_32, %dma_wait3A_38] : memref<2x2000x80xi32, #tpu.memory_space<hbm>> -> memref<1x25x80xi32, #tpu.memory_space<hbm>>
      %dma_wait3A_40 = tpu.memref_squeeze %dma_wait3A_39 : memref<1x25x80xi32, #tpu.memory_space<hbm>> -> memref<25x80xi32, #tpu.memory_space<hbm>>
      %dma_wait3A_41 = tpu.memref_slice %arg11[%dma_wait3A_35] : memref<3x!tpu.dma_semaphore, #tpu.memory_space<semaphore_mem>> -> memref<1x!tpu.dma_semaphore, #tpu.memory_space<semaphore_mem>>
      %dma_wait3A_42 = tpu.memref_squeeze %dma_wait3A_41 : memref<1x!tpu.dma_semaphore, #tpu.memory_space<semaphore_mem>> -> memref<!tpu.dma_semaphore, #tpu.memory_space<semaphore_mem>>
      %dma_wait3A_43 = arith.constant 0 : i32
      %dma_wait3A_44 = tpu.memref_slice %arg7[%mul3A_34, %dma_wait3A_43] : memref<125x80xi32, #tpu.memory_space<vmem>> -> memref<25x80xi32, #tpu.memory_space<vmem>>
      %dma_wait3A_45 = arith.constant 0 : i32
      %dma_wait3A_46 = tpu.memref_slice %arg2[%arg0, %add3A_32, %dma_wait3A_45] : memref<2x2000x80xi32, #tpu.memory_space<hbm>> -> memref<1x25x80xi32, #tpu.memory_space<hbm>>
      %dma_wait3A_47 = tpu.memref_squeeze %dma_wait3A_46 : memref<1x25x80xi32, #tpu.memory_space<hbm>> -> memref<25x80xi32, #tpu.memory_space<hbm>>
      tpu.wait_dma2 semaphore(%dma_wait3A_42 : memref<!tpu.dma_semaphore, #tpu.memory_space<semaphore_mem>>) src(%dma_wait3A_47 : memref<25x80xi32, #tpu.memory_space<hbm>>) dst(%dma_wait3A_44 : memref<25x80xi32, #tpu.memory_space<vmem>>)
      %mul3A_48 = arith.constant 125 : i32
      %mul3A_49 = arith.muli %arg1, %mul3A_48 : i32
      %mul3A_50 = arith.constant 25 : i32
      %mul3A_51 = arith.muli %scan3A_27, %mul3A_50 : i32
      %add3A_52 = arith.addi %mul3A_49, %mul3A_51 : i32
      %mul3A_53 = arith.constant 25 : i32
      %mul3A_54 = arith.muli %scan3A_27, %mul3A_53 : i32
      %dma_wait3A_55 = arith.constant 1 : i32
      %dma_wait3A_56 = arith.constant 0 : i32
      %dma_wait3A_57 = tpu.memref_slice %arg8[%mul3A_54, %dma_wait3A_56] : memref<125x80xi32, #tpu.memory_space<vmem>> -> memref<25x80xi32, #tpu.memory_space<vmem>>
      %dma_wait3A_58 = arith.constant 0 : i32
      %dma_wait3A_59 = tpu.memref_slice %arg3[%add3A_52, %dma_wait3A_58] : memref<2000x80xi32, #tpu.memory_space<hbm>> -> memref<25x80xi32, #tpu.memory_space<hbm>>
      %dma_wait3A_60 = tpu.memref_slice %arg11[%dma_wait3A_55] : memref<3x!tpu.dma_semaphore, #tpu.memory_space<semaphore_mem>> -> memref<1x!tpu.dma_semaphore, #tpu.memory_space<semaphore_mem>>
      %dma_wait3A_61 = tpu.memref_squeeze %dma_wait3A_60 : memref<1x!tpu.dma_semaphore, #tpu.memory_space<semaphore_mem>> -> memref<!tpu.dma_semaphore, #tpu.memory_space<semaphore_mem>>
      %dma_wait3A_62 = arith.constant 0 : i32
      %dma_wait3A_63 = tpu.memref_slice %arg8[%mul3A_54, %dma_wait3A_62] : memref<125x80xi32, #tpu.memory_space<vmem>> -> memref<25x80xi32, #tpu.memory_space<vmem>>
      %dma_wait3A_64 = arith.constant 0 : i32
      %dma_wait3A_65 = tpu.memref_slice %arg3[%add3A_52, %dma_wait3A_64] : memref<2000x80xi32, #tpu.memory_space<hbm>> -> memref<25x80xi32, #tpu.memory_space<hbm>>
      tpu.wait_dma2 semaphore(%dma_wait3A_61 : memref<!tpu.dma_semaphore, #tpu.memory_space<semaphore_mem>>) src(%dma_wait3A_65 : memref<25x80xi32, #tpu.memory_space<hbm>>) dst(%dma_wait3A_63 : memref<25x80xi32, #tpu.memory_space<vmem>>)
    }
    %scan3A_12 = arith.constant 5 : i32
    %dma_wait3A = arith.constant 0 : i32
    %dma_wait3A_13 = tpu.memref_slice %arg10[%mul3A_0, %dma_wait3A] : memref<10000x128xf32, #tpu.memory_space<vmem_shared>> -> memref<625x128xf32, #tpu.memory_space<vmem_shared>>
    tpu.wait_dma2 semaphore(%arg13 : memref<!tpu.dma_semaphore, #tpu.memory_space<semaphore_mem>>) src(%arg5 : memref<625x128xf32, #tpu.memory_space<hbm>>) dst(%dma_wait3A_13 : memref<625x128xf32, #tpu.memory_space<vmem_shared>>)
    %barrier3A = arith.constant 0 : index
    tpu.barrier barrier_id(%barrier3A)
    %scan3A_14 = arith.constant 0 : i32
    %scan3A_15 = arith.constant 0 : i32
    %scan3A_16 = arith.constant 128 : i32
    %scan3A_17 = arith.addi %scan3A_15, %scan3A_16 : i32
    %scan3A_18 = arith.constant 1 : i32
    scf.for %scan3A_27 = %scan3A_15 to %scan3A_17 step %scan3A_18  : i32 {
      %jit3A = arith.constant 3 : i32
      %eq3A = arith.constant 0 : i32
      %eq3A_28 = arith.cmpi eq, %jit3A, %eq3A : i32
      %jit3A_29 = arith.constant 1 : i32
      %select_n3A = arith.select %eq3A_28, %jit3A_29, %jit3A : i32
      %rem3A = arith.remsi %scan3A_27, %select_n3A : i32
      %ne3A = arith.constant 0 : i32
      %ne3A_30 = arith.cmpi ne, %rem3A, %ne3A : i32
      %lt3A = arith.constant 0 : i32
      %lt3A_31 = arith.cmpi slt, %rem3A, %lt3A : i32
      %lt3A_32 = arith.constant 0 : i32
      %lt3A_33 = arith.cmpi slt, %select_n3A, %lt3A_32 : i32
      %ne3A_34 = arith.xori %lt3A_31, %lt3A_33 : i1
      %and3A = arith.andi %ne3A_34, %ne3A_30 : i1
      %add3A_35 = arith.addi %rem3A, %select_n3A : i32
      %select_n3A_36 = arith.select %and3A, %add3A_35, %rem3A : i32
      %add3A_37 = arith.constant 2 : i32
      %add3A_38 = arith.addi %scan3A_27, %add3A_37 : i32
      %jit3A_39 = arith.constant 3 : i32
      %eq3A_40 = arith.constant 0 : i32
      %eq3A_41 = arith.cmpi eq, %jit3A_39, %eq3A_40 : i32
      %jit3A_42 = arith.constant 1 : i32
      %select_n3A_43 = arith.select %eq3A_41, %jit3A_42, %jit3A_39 : i32
      %rem3A_44 = arith.remsi %add3A_38, %select_n3A_43 : i32
      %ne3A_45 = arith.constant 0 : i32
      %ne3A_46 = arith.cmpi ne, %rem3A_44, %ne3A_45 : i32
      %lt3A_47 = arith.constant 0 : i32
      %lt3A_48 = arith.cmpi slt, %rem3A_44, %lt3A_47 : i32
      %lt3A_49 = arith.constant 0 : i32
      %lt3A_50 = arith.cmpi slt, %select_n3A_43, %lt3A_49 : i32
      %ne3A_51 = arith.xori %lt3A_48, %lt3A_50 : i1
      %and3A_52 = arith.andi %ne3A_51, %ne3A_46 : i1
      %add3A_53 = arith.addi %rem3A_44, %select_n3A_43 : i32
      %select_n3A_54 = arith.select %and3A_52, %add3A_53, %rem3A_44 : i32
      %ge3A = arith.constant 3 : i32
      %ge3A_55 = arith.cmpi sge, %scan3A_27, %ge3A : i32
      %sub3A = arith.constant 3 : i32
      %sub3A_56 = arith.subi %scan3A_27, %sub3A : i32
      %lt3A_57 = arith.constant 125 : i32
      %lt3A_58 = arith.cmpi slt, %sub3A_56, %lt3A_57 : i32
      %and3A_59 = arith.andi %ge3A_55, %lt3A_58 : i1
      %convert_element_type3A = arith.extui %and3A_59 : i1 to i32
      %cond3A = arith.constant 0 : i32
      %cond3A_60 = arith.cmpi ne, %convert_element_type3A, %cond3A : i32
      scf.if %cond3A_60 {
        %sub3A_72 = arith.constant 3 : i32
        %sub3A_73 = arith.subi %scan3A_27, %sub3A_72 : i32
        %dma_wait3A_74 = arith.constant 0 : i32
        %dma_wait3A_75 = arith.constant 0 : i32
        %dma_wait3A_76 = tpu.memref_slice %arg9[%select_n3A_36, %dma_wait3A_74, %dma_wait3A_75] : memref<3x80x128xf32, #tpu.memory_space<vmem>> -> memref<1x80x128xf32, #tpu.memory_space<vmem>>
        %dma_wait3A_77 = tpu.memref_squeeze %dma_wait3A_76 : memref<1x80x128xf32, #tpu.memory_space<vmem>> -> memref<80x128xf32, #tpu.memory_space<vmem>>
        %dma_wait3A_78 = arith.constant 0 : i32
        %dma_wait3A_79 = tpu.memref_slice %arg8[%sub3A_73, %dma_wait3A_78] : memref<125x80xi32, #tpu.memory_space<vmem>> -> memref<1x80xi32, #tpu.memory_space<vmem>>
        %dma_wait3A_80 = tpu.memref_squeeze %dma_wait3A_79 : memref<1x80xi32, #tpu.memory_space<vmem>> -> memref<80xi32, #tpu.memory_space<vmem>>
        %dma_wait3A_81 = arith.constant 0 : i32
        %dma_wait3A_82 = arith.constant 0 : i32
        %dma_wait3A_83 = tpu.memref_slice %arg10[%dma_wait3A_81, %dma_wait3A_82] : memref<10000x128xf32, #tpu.memory_space<vmem_shared>> -> memref<10000x128xf32, #tpu.memory_space<vmem_shared>>
        %dma_wait3A_84 = tpu.memref_slice %arg12[%select_n3A_36] : memref<3x!tpu.dma_semaphore, #tpu.memory_space<semaphore_mem>> -> memref<1x!tpu.dma_semaphore, #tpu.memory_space<semaphore_mem>>
        %dma_wait3A_85 = tpu.memref_squeeze %dma_wait3A_84 : memref<1x!tpu.dma_semaphore, #tpu.memory_space<semaphore_mem>> -> memref<!tpu.dma_semaphore, #tpu.memory_space<semaphore_mem>>
        tpu.wait_indirect_dma semaphore(%dma_wait3A_85 : memref<!tpu.dma_semaphore, #tpu.memory_space<semaphore_mem>>) src(%dma_wait3A_77 : memref<80x128xf32, #tpu.memory_space<vmem>>) dst(%dma_wait3A_83 : memref<10000x128xf32, #tpu.memory_space<vmem_shared>>)
      } else {
      }
      %lt3A_61 = arith.constant 125 : i32
      %lt3A_62 = arith.cmpi slt, %scan3A_27, %lt3A_61 : i32
      %convert_element_type3A_63 = arith.extui %lt3A_62 : i1 to i32
      %cond3A_64 = arith.constant 0 : i32
      %cond3A_65 = arith.cmpi ne, %convert_element_type3A_63, %cond3A_64 : i32
      scf.if %cond3A_65 {
        %dma_start3A_72 = arith.constant 0 : i32
        %dma_start3A_73 = arith.constant 0 : i32
        %dma_start3A_74 = tpu.memref_slice %arg9[%select_n3A_36, %dma_start3A_72, %dma_start3A_73] : memref<3x80x128xf32, #tpu.memory_space<vmem>> -> memref<1x80x128xf32, #tpu.memory_space<vmem>>
        %dma_start3A_75 = tpu.memref_squeeze %dma_start3A_74 : memref<1x80x128xf32, #tpu.memory_space<vmem>> -> memref<80x128xf32, #tpu.memory_space<vmem>>
        %dma_start3A_76 = arith.constant 0 : i32
        %dma_start3A_77 = tpu.memref_slice %arg7[%scan3A_27, %dma_start3A_76] : memref<125x80xi32, #tpu.memory_space<vmem>> -> memref<1x80xi32, #tpu.memory_space<vmem>>
        %dma_start3A_78 = tpu.memref_squeeze %dma_start3A_77 : memref<1x80xi32, #tpu.memory_space<vmem>> -> memref<80xi32, #tpu.memory_space<vmem>>
        %dma_start3A_79 = arith.constant 0 : i32
        %dma_start3A_80 = arith.constant 0 : i32
        %dma_start3A_81 = tpu.memref_slice %arg4[%dma_start3A_79, %dma_start3A_80] : memref<20000x128xf32, #tpu.memory_space<hbm>> -> memref<20000x128xf32, #tpu.memory_space<hbm>>
        %dma_start3A_82 = tpu.memref_slice %arg11[%select_n3A_36] : memref<3x!tpu.dma_semaphore, #tpu.memory_space<semaphore_mem>> -> memref<1x!tpu.dma_semaphore, #tpu.memory_space<semaphore_mem>>
        %dma_start3A_83 = tpu.memref_squeeze %dma_start3A_82 : memref<1x!tpu.dma_semaphore, #tpu.memory_space<semaphore_mem>> -> memref<!tpu.dma_semaphore, #tpu.memory_space<semaphore_mem>>
        tpu.enqueue_indirect_dma source(%dma_start3A_81 : memref<20000x128xf32, #tpu.memory_space<hbm>>) target(%dma_start3A_75 : memref<80x128xf32, #tpu.memory_space<vmem>>) offsets(%dma_start3A_78 : memref<80xi32, #tpu.memory_space<vmem>>) semaphore(%dma_start3A_83 : memref<!tpu.dma_semaphore, #tpu.memory_space<semaphore_mem>>)
      } else {
      }
      %gt3A = arith.constant 0 : i32
      %gt3A_66 = arith.cmpi sgt, %scan3A_27, %gt3A : i32
      %le3A = arith.constant 125 : i32
      %le3A_67 = arith.cmpi sle, %scan3A_27, %le3A : i32
      %and3A_68 = arith.andi %gt3A_66, %le3A_67 : i1
      %convert_element_type3A_69 = arith.extui %and3A_68 : i1 to i32
      %cond3A_70 = arith.constant 0 : i32
      %cond3A_71 = arith.cmpi ne, %convert_element_type3A_69, %cond3A_70 : i32
      scf.if %cond3A_71 {
        %sub3A_72 = arith.constant 1 : i32
        %sub3A_73 = arith.subi %scan3A_27, %sub3A_72 : i32
        %dma_wait3A_74 = arith.constant 0 : i32
        %dma_wait3A_75 = arith.constant 0 : i32
        %dma_wait3A_76 = tpu.memref_slice %arg9[%select_n3A_54, %dma_wait3A_74, %dma_wait3A_75] : memref<3x80x128xf32, #tpu.memory_space<vmem>> -> memref<1x80x128xf32, #tpu.memory_space<vmem>>
        %dma_wait3A_77 = tpu.memref_squeeze %dma_wait3A_76 : memref<1x80x128xf32, #tpu.memory_space<vmem>> -> memref<80x128xf32, #tpu.memory_space<vmem>>
        %dma_wait3A_78 = arith.constant 0 : i32
        %dma_wait3A_79 = tpu.memref_slice %arg7[%sub3A_73, %dma_wait3A_78] : memref<125x80xi32, #tpu.memory_space<vmem>> -> memref<1x80xi32, #tpu.memory_space<vmem>>
        %dma_wait3A_80 = tpu.memref_squeeze %dma_wait3A_79 : memref<1x80xi32, #tpu.memory_space<vmem>> -> memref<80xi32, #tpu.memory_space<vmem>>
        %dma_wait3A_81 = arith.constant 0 : i32
        %dma_wait3A_82 = arith.constant 0 : i32
        %dma_wait3A_83 = tpu.memref_slice %arg4[%dma_wait3A_81, %dma_wait3A_82] : memref<20000x128xf32, #tpu.memory_space<hbm>> -> memref<20000x128xf32, #tpu.memory_space<hbm>>
        %dma_wait3A_84 = tpu.memref_slice %arg11[%select_n3A_54] : memref<3x!tpu.dma_semaphore, #tpu.memory_space<semaphore_mem>> -> memref<1x!tpu.dma_semaphore, #tpu.memory_space<semaphore_mem>>
        %dma_wait3A_85 = tpu.memref_squeeze %dma_wait3A_84 : memref<1x!tpu.dma_semaphore, #tpu.memory_space<semaphore_mem>> -> memref<!tpu.dma_semaphore, #tpu.memory_space<semaphore_mem>>
        tpu.wait_indirect_dma semaphore(%dma_wait3A_85 : memref<!tpu.dma_semaphore, #tpu.memory_space<semaphore_mem>>) src(%dma_wait3A_83 : memref<20000x128xf32, #tpu.memory_space<hbm>>) dst(%dma_wait3A_77 : memref<80x128xf32, #tpu.memory_space<vmem>>)
        %sub3A_86 = arith.constant 1 : i32
        %sub3A_87 = arith.subi %scan3A_27, %sub3A_86 : i32
        %dma_start3A_88 = arith.constant 0 : i32
        %dma_start3A_89 = arith.constant 0 : i32
        %dma_start3A_90 = tpu.memref_slice %arg9[%select_n3A_54, %dma_start3A_88, %dma_start3A_89] : memref<3x80x128xf32, #tpu.memory_space<vmem>> -> memref<1x80x128xf32, #tpu.memory_space<vmem>>
        %dma_start3A_91 = tpu.memref_squeeze %dma_start3A_90 : memref<1x80x128xf32, #tpu.memory_space<vmem>> -> memref<80x128xf32, #tpu.memory_space<vmem>>
        %dma_start3A_92 = arith.constant 0 : i32
        %dma_start3A_93 = tpu.memref_slice %arg8[%sub3A_87, %dma_start3A_92] : memref<125x80xi32, #tpu.memory_space<vmem>> -> memref<1x80xi32, #tpu.memory_space<vmem>>
        %dma_start3A_94 = tpu.memref_squeeze %dma_start3A_93 : memref<1x80xi32, #tpu.memory_space<vmem>> -> memref<80xi32, #tpu.memory_space<vmem>>
        %dma_start3A_95 = arith.constant 0 : i32
        %dma_start3A_96 = arith.constant 0 : i32
        %dma_start3A_97 = tpu.memref_slice %arg10[%dma_start3A_95, %dma_start3A_96] : memref<10000x128xf32, #tpu.memory_space<vmem_shared>> -> memref<10000x128xf32, #tpu.memory_space<vmem_shared>>
        %dma_start3A_98 = tpu.memref_slice %arg12[%select_n3A_54] : memref<3x!tpu.dma_semaphore, #tpu.memory_space<semaphore_mem>> -> memref<1x!tpu.dma_semaphore, #tpu.memory_space<semaphore_mem>>
        %dma_start3A_99 = tpu.memref_squeeze %dma_start3A_98 : memref<1x!tpu.dma_semaphore, #tpu.memory_space<semaphore_mem>> -> memref<!tpu.dma_semaphore, #tpu.memory_space<semaphore_mem>>
        tpu.enqueue_indirect_dma source(%dma_start3A_91 : memref<80x128xf32, #tpu.memory_space<vmem>>) target(%dma_start3A_97 : memref<10000x128xf32, #tpu.memory_space<vmem_shared>>) offsets(%dma_start3A_94 : memref<80xi32, #tpu.memory_space<vmem>>) semaphore(%dma_start3A_99 : memref<!tpu.dma_semaphore, #tpu.memory_space<semaphore_mem>>) {add = true}
      } else {
      }
    }
    %scan3A_19 = arith.constant 128 : i32
    %barrier3A_20 = arith.constant 0 : index
    tpu.barrier barrier_id(%barrier3A_20)
    %mul3A_21 = arith.constant 625 : i32
    %mul3A_22 = arith.muli %arg1, %mul3A_21 : i32
    %mul3A_23 = arith.constant 10000 : i32
    %mul3A_24 = arith.muli %arg0, %mul3A_23 : i32
    %mul3A_25 = arith.constant 625 : i32
    %mul3A_26 = arith.muli %arg1, %mul3A_25 : i32
    %add3A = arith.addi %mul3A_24, %mul3A_26 : i32
    "tpu.region"() ({
      %run_scoped3A = tpu.sem_alloc : memref<!tpu.dma_semaphore, #tpu.memory_space<semaphore_mem>>
      %dma_start3A_27 = arith.constant 0 : i32
      %dma_start3A_28 = tpu.memref_slice %arg6[%add3A, %dma_start3A_27] : memref<20000x128xf32, #tpu.memory_space<hbm>> -> memref<625x128xf32, #tpu.memory_space<hbm>>
      %dma_start3A_29 = arith.constant 0 : i32
      %dma_start3A_30 = tpu.memref_slice %arg10[%mul3A_22, %dma_start3A_29] : memref<10000x128xf32, #tpu.memory_space<vmem_shared>> -> memref<625x128xf32, #tpu.memory_space<vmem_shared>>
      tpu.enqueue_dma source(%dma_start3A_30 : memref<625x128xf32, #tpu.memory_space<vmem_shared>>) target(%dma_start3A_28 : memref<625x128xf32, #tpu.memory_space<hbm>>) target_semaphore(%run_scoped3A : memref<!tpu.dma_semaphore, #tpu.memory_space<semaphore_mem>>)
      %dma_wait3A_31 = arith.constant 0 : i32
      %dma_wait3A_32 = tpu.memref_slice %arg6[%add3A, %dma_wait3A_31] : memref<20000x128xf32, #tpu.memory_space<hbm>> -> memref<625x128xf32, #tpu.memory_space<hbm>>
      %dma_wait3A_33 = arith.constant 0 : i32
      %dma_wait3A_34 = tpu.memref_slice %arg10[%mul3A_22, %dma_wait3A_33] : memref<10000x128xf32, #tpu.memory_space<vmem_shared>> -> memref<625x128xf32, #tpu.memory_space<vmem_shared>>
      tpu.wait_dma2 semaphore(%run_scoped3A : memref<!tpu.dma_semaphore, #tpu.memory_space<semaphore_mem>>) src(%dma_wait3A_34 : memref<625x128xf32, #tpu.memory_space<vmem_shared>>) dst(%dma_wait3A_32 : memref<625x128xf32, #tpu.memory_space<hbm>>)
      tpu.yield
    }) : () -> ()
    return
  }
}

module attributes {stable_mosaic.version = 14 : i64} {
  func.func @_dense_body(%arg0: i32, %arg1: memref<10000x128xf32, #tpu.memory_space<vmem>>, %arg2: memref<10000x128xf32, #tpu.memory_space<vmem>>, %arg3: memref<10000x128xf32, #tpu.memory_space<vmem>>, %arg4: memref<10000x128xf32, #tpu.memory_space<vmem>>, %arg5: memref<256x256xf32, #tpu.memory_space<vmem>>, %arg6: memref<1x256xf32, #tpu.memory_space<vmem>>, %arg7: memref<256x256xf32, #tpu.memory_space<vmem>>, %arg8: memref<1x256xf32, #tpu.memory_space<vmem>>, %arg9: memref<10000x256xf32, #tpu.memory_space<vmem>>, %arg10: memref<8x256xf32, #tpu.memory_space<vmem>>) attributes {dimension_semantics = [#tpu.dimension_semantics<arbitrary>], iteration_bounds = array<i64: 1>, scalar_prefetch = 0 : i64, scratch_operands = 0 : i64, tpu.core_type = #tpu.core_type<tc>, window_params = [{transform_indices = @transform_0, window_bounds = array<i64: 10000, 128>}, {transform_indices = @transform_1, window_bounds = array<i64: 10000, 128>}, {transform_indices = @transform_2, window_bounds = array<i64: 10000, 128>}, {transform_indices = @transform_3, window_bounds = array<i64: 10000, 128>}, {pipeline_mode = #tpu.pipeline_mode<synchronous>, transform_indices = @transform_4, window_bounds = array<i64: 256, 256>}, {pipeline_mode = #tpu.pipeline_mode<synchronous>, transform_indices = @transform_5, window_bounds = array<i64: 1, 256>}, {pipeline_mode = #tpu.pipeline_mode<synchronous>, transform_indices = @transform_6, window_bounds = array<i64: 256, 256>}, {pipeline_mode = #tpu.pipeline_mode<synchronous>, transform_indices = @transform_7, window_bounds = array<i64: 1, 256>}, {transform_indices = @transform_8, window_bounds = array<i64: 10000, 256>}, {pipeline_mode = #tpu.pipeline_mode<synchronous>, transform_indices = @transform_9, window_bounds = array<i64: 8, 256>}]} {
    %get3A = arith.constant 0 : index
    %get3A_0 = arith.constant 0 : index
    %get3A_1 = vector.load %arg1[%get3A, %get3A_0] : memref<10000x128xf32, #tpu.memory_space<vmem>>, vector<10000x128xf32>
    %get3A_2 = arith.constant 0 : index
    %get3A_3 = arith.constant 0 : index
    %get3A_4 = vector.load %arg3[%get3A_2, %get3A_3] : memref<10000x128xf32, #tpu.memory_space<vmem>>, vector<10000x128xf32>
    %add3A = arith.addf %get3A_1, %get3A_4 : vector<10000x128xf32>
    %get3A_5 = arith.constant 0 : index
    %get3A_6 = arith.constant 0 : index
    %get3A_7 = vector.load %arg2[%get3A_5, %get3A_6] : memref<10000x128xf32, #tpu.memory_space<vmem>>, vector<10000x128xf32>
    %get3A_8 = arith.constant 0 : index
    %get3A_9 = arith.constant 0 : index
    %get3A_10 = vector.load %arg4[%get3A_8, %get3A_9] : memref<10000x128xf32, #tpu.memory_space<vmem>>, vector<10000x128xf32>
    %add3A_11 = arith.addf %get3A_7, %get3A_10 : vector<10000x128xf32>
    %get3A_12 = arith.constant 0 : index
    %get3A_13 = arith.constant 0 : index
    %get3A_14 = vector.load %arg5[%get3A_12, %get3A_13] : memref<256x256xf32, #tpu.memory_space<vmem>>, vector<256x256xf32>
    %slice3A = vector.extract_strided_slice %get3A_14 {offsets = [0, 0], sizes = [128, 256], strides = [1, 1]} : vector<256x256xf32> to vector<128x256xf32>
    %dot_general3A = arith.constant dense<0.000000e+00> : vector<10000x256xf32>
    %dot_general3A_15 = tpu.matmul %add3A, %slice3A, %dot_general3A {dimension_numbers = #tpu.dot_dimension_numbers<[1], [0], [0], [1], [0, 0, 1, 1], [], []>, transpose_lhs_hint = false} : vector<10000x128xf32>, vector<128x256xf32>, vector<10000x256xf32> -> vector<10000x256xf32>
    %slice3A_16 = vector.extract_strided_slice %get3A_14 {offsets = [128, 0], sizes = [128, 256], strides = [1, 1]} : vector<256x256xf32> to vector<128x256xf32>
    %dot_general3A_17 = arith.constant dense<0.000000e+00> : vector<10000x256xf32>
    %dot_general3A_18 = tpu.matmul %add3A_11, %slice3A_16, %dot_general3A_17 {dimension_numbers = #tpu.dot_dimension_numbers<[1], [0], [0], [1], [0, 0, 1, 1], [], []>, transpose_lhs_hint = false} : vector<10000x128xf32>, vector<128x256xf32>, vector<10000x256xf32> -> vector<10000x256xf32>
    %add3A_19 = arith.addf %dot_general3A_15, %dot_general3A_18 : vector<10000x256xf32>
    %get3A_20 = arith.constant 0 : index
    %get3A_21 = arith.constant 0 : index
    %get3A_22 = vector.load %arg6[%get3A_20, %get3A_21] : memref<1x256xf32, #tpu.memory_space<vmem>>, vector<1x256xf32>
    %add3A_23 = vector.broadcast %get3A_22 : vector<1x256xf32> to vector<10000x256xf32>
    %add3A_24 = arith.addf %add3A_19, %add3A_23 : vector<10000x256xf32>
    %max3A = arith.constant 0.000000e+00 : f32
    %max3A_25 = vector.broadcast %max3A : f32 to vector<10000x256xf32>
    %max3A_26 = arith.maximumf %add3A_24, %max3A_25 : vector<10000x256xf32>
    %get3A_27 = arith.constant 0 : index
    %get3A_28 = arith.constant 0 : index
    %get3A_29 = vector.load %arg7[%get3A_27, %get3A_28] : memref<256x256xf32, #tpu.memory_space<vmem>>, vector<256x256xf32>
    %dot_general3A_30 = arith.constant dense<0.000000e+00> : vector<10000x256xf32>
    %dot_general3A_31 = tpu.matmul %max3A_26, %get3A_29, %dot_general3A_30 {dimension_numbers = #tpu.dot_dimension_numbers<[1], [0], [0], [1], [0, 0, 1, 1], [], []>, transpose_lhs_hint = false} : vector<10000x256xf32>, vector<256x256xf32>, vector<10000x256xf32> -> vector<10000x256xf32>
    %get3A_32 = arith.constant 0 : index
    %get3A_33 = arith.constant 0 : index
    %get3A_34 = vector.load %arg8[%get3A_32, %get3A_33] : memref<1x256xf32, #tpu.memory_space<vmem>>, vector<1x256xf32>
    %add3A_35 = vector.broadcast %get3A_34 : vector<1x256xf32> to vector<10000x256xf32>
    %add3A_36 = arith.addf %dot_general3A_31, %add3A_35 : vector<10000x256xf32>
    %max3A_37 = arith.constant 0.000000e+00 : f32
    %max3A_38 = vector.broadcast %max3A_37 : f32 to vector<10000x256xf32>
    %max3A_39 = arith.maximumf %add3A_36, %max3A_38 : vector<10000x256xf32>
    %swap3A = arith.constant 0 : index
    %swap3A_40 = arith.constant 0 : index
    %swap3A_41 = vector.load %arg9[%swap3A, %swap3A_40] : memref<10000x256xf32, #tpu.memory_space<vmem>>, vector<10000x256xf32>
    tpu.vector_store %arg9[%swap3A, %swap3A_40], %max3A_39 {strides = array<i32>} : memref<10000x256xf32, #tpu.memory_space<vmem>>, vector<10000x256xf32>,
    %reduce_sum3A = arith.constant dense<0.000000e+00> : vector<256xf32>
    %reduce_sum3A_42 = vector.multi_reduction <add>, %max3A_39, %reduce_sum3A [0] : vector<10000x256xf32> to vector<256xf32>
    %broadcast_in_dim3A = vector.shape_cast %reduce_sum3A_42 : vector<256xf32> to vector<1x256xf32>
    %mul3A = arith.mulf %max3A_39, %max3A_39 : vector<10000x256xf32>
    %reduce_sum3A_43 = arith.constant dense<0.000000e+00> : vector<256xf32>
    %reduce_sum3A_44 = vector.multi_reduction <add>, %mul3A, %reduce_sum3A_43 [0] : vector<10000x256xf32> to vector<256xf32>
    %broadcast_in_dim3A_45 = vector.shape_cast %reduce_sum3A_44 : vector<256xf32> to vector<1x256xf32>
    %broadcast_in_dim3A_46 = arith.constant 0.000000e+00 : f32
    %broadcast_in_dim3A_47 = vector.broadcast %broadcast_in_dim3A_46 : f32 to vector<6x256xf32>
    %concatenate3A = tpu.concatenate %broadcast_in_dim3A, %broadcast_in_dim3A_45, %broadcast_in_dim3A_47 in 0 : vector<1x256xf32>, vector<1x256xf32>, vector<6x256xf32> -> vector<8x256xf32>
    %eq3A = arith.constant 0 : i32
    %eq3A_48 = arith.cmpi eq, %arg0, %eq3A : i32
    %convert_element_type3A = arith.extui %eq3A_48 : i1 to i32
    %cond3A = arith.constant 0 : i32
    %cond3A_49 = arith.cmpi ne, %convert_element_type3A, %cond3A : i32
    scf.if %cond3A_49 {
      %broadcast_in_dim3A_57 = arith.constant 0.000000e+00 : f32
      %broadcast_in_dim3A_58 = vector.broadcast %broadcast_in_dim3A_57 : f32 to vector<8x256xf32>
      %swap3A_59 = arith.constant 0 : index
      %swap3A_60 = arith.constant 0 : index
      %swap3A_61 = vector.load %arg10[%swap3A_59, %swap3A_60] : memref<8x256xf32, #tpu.memory_space<vmem>>, vector<8x256xf32>
      tpu.vector_store %arg10[%swap3A_59, %swap3A_60], %broadcast_in_dim3A_58 {strides = array<i32>} : memref<8x256xf32, #tpu.memory_space<vmem>>, vector<8x256xf32>,
    } else {
    }
    %get3A_50 = arith.constant 0 : index
    %get3A_51 = arith.constant 0 : index
    %get3A_52 = vector.load %arg10[%get3A_50, %get3A_51] : memref<8x256xf32, #tpu.memory_space<vmem>>, vector<8x256xf32>
    %add3A_53 = arith.addf %get3A_52, %concatenate3A : vector<8x256xf32>
    %swap3A_54 = arith.constant 0 : index
    %swap3A_55 = arith.constant 0 : index
    %swap3A_56 = vector.load %arg10[%swap3A_54, %swap3A_55] : memref<8x256xf32, #tpu.memory_space<vmem>>, vector<8x256xf32>
    tpu.vector_store %arg10[%swap3A_54, %swap3A_55], %add3A_53 {strides = array<i32>} : memref<8x256xf32, #tpu.memory_space<vmem>>, vector<8x256xf32>,
    return
  }
  func.func @transform_0(%arg0: i32) -> (i32, i32) {
    %c0_i32 = arith.constant 0 : i32
    %c0_i32_0 = arith.constant 0 : i32
    return %arg0, %c0_i32 : i32, i32
  }
  func.func @transform_1(%arg0: i32) -> (i32, i32) {
    %add3A = arith.constant 1 : i32
    %add3A_0 = arith.addi %add3A, %arg0 : i32
    %c0_i32 = arith.constant 0 : i32
    %c0_i32_1 = arith.constant 0 : i32
    return %add3A_0, %c0_i32 : i32, i32
  }
  func.func @transform_2(%arg0: i32) -> (i32, i32) {
    %c0_i32 = arith.constant 0 : i32
    %c0_i32_0 = arith.constant 0 : i32
    return %arg0, %c0_i32 : i32, i32
  }
  func.func @transform_3(%arg0: i32) -> (i32, i32) {
    %add3A = arith.constant 1 : i32
    %add3A_0 = arith.addi %add3A, %arg0 : i32
    %c0_i32 = arith.constant 0 : i32
    %c0_i32_1 = arith.constant 0 : i32
    return %add3A_0, %c0_i32 : i32, i32
  }
  func.func @transform_4(%arg0: i32) -> (i32, i32) {
    %c0_i32 = arith.constant 0 : i32
    %c0_i32_0 = arith.constant 0 : i32
    %c0_i32_1 = arith.constant 0 : i32
    return %c0_i32, %c0_i32_0 : i32, i32
  }
  func.func @transform_5(%arg0: i32) -> (i32, i32) {
    %c0_i32 = arith.constant 0 : i32
    %c0_i32_0 = arith.constant 0 : i32
    %c0_i32_1 = arith.constant 0 : i32
    return %c0_i32, %c0_i32_0 : i32, i32
  }
  func.func @transform_6(%arg0: i32) -> (i32, i32) {
    %c0_i32 = arith.constant 0 : i32
    %c0_i32_0 = arith.constant 0 : i32
    %c0_i32_1 = arith.constant 0 : i32
    return %c0_i32, %c0_i32_0 : i32, i32
  }
  func.func @transform_7(%arg0: i32) -> (i32, i32) {
    %c0_i32 = arith.constant 0 : i32
    %c0_i32_0 = arith.constant 0 : i32
    %c0_i32_1 = arith.constant 0 : i32
    return %c0_i32, %c0_i32_0 : i32, i32
  }
  func.func @transform_8(%arg0: i32) -> (i32, i32) {
    %c0_i32 = arith.constant 0 : i32
    %c0_i32_0 = arith.constant 0 : i32
    return %arg0, %c0_i32 : i32, i32
  }
  func.func @transform_9(%arg0: i32) -> (i32, i32) {
    %c0_i32 = arith.constant 0 : i32
    %c0_i32_0 = arith.constant 0 : i32
    %c0_i32_1 = arith.constant 0 : i32
    return %c0_i32, %c0_i32_0 : i32, i32
  }
}

module attributes {stable_mosaic.version = 14 : i64} {
  func.func @_norm_split_body(%arg0: i32, %arg1: i32, %arg2: memref<10000x128xf32, #tpu.memory_space<vmem>>, %arg3: memref<8x128xf32, #tpu.memory_space<vmem>>, %arg4: memref<1x128xf32, #tpu.memory_space<vmem>>, %arg5: memref<1x128xf32, #tpu.memory_space<vmem>>, %arg6: memref<10000x128xf32, #tpu.memory_space<vmem>>) attributes {dimension_semantics = [#tpu.dimension_semantics<arbitrary>, #tpu.dimension_semantics<arbitrary>], iteration_bounds = array<i64: 2, 1>, scalar_prefetch = 0 : i64, scratch_operands = 0 : i64, tpu.core_type = #tpu.core_type<tc>, window_params = [{transform_indices = @transform_0, window_bounds = array<i64: 10000, 128>}, {transform_indices = @transform_1, window_bounds = array<i64: 8, 128>}, {transform_indices = @transform_2, window_bounds = array<i64: 1, 128>}, {transform_indices = @transform_3, window_bounds = array<i64: 1, 128>}, {transform_indices = @transform_4, window_bounds = array<i64: 10000, 128>}]} {
    %get3A = arith.constant 0 : index
    %get3A_0 = arith.constant 0 : index
    %get3A_1 = vector.load %arg3[%get3A, %get3A_0] : memref<8x128xf32, #tpu.memory_space<vmem>>, vector<1x128xf32>
    %div3A = arith.constant 1.000000e+04 : f32
    %div3A_2 = vector.broadcast %div3A : f32 to vector<1x128xf32>
    %div3A_3 = arith.divf %get3A_1, %div3A_2 : vector<1x128xf32>
    %get3A_4 = arith.constant 1 : index
    %get3A_5 = arith.constant 0 : index
    %get3A_6 = vector.load %arg3[%get3A_4, %get3A_5] : memref<8x128xf32, #tpu.memory_space<vmem>>, vector<1x128xf32>
    %div3A_7 = arith.constant 1.000000e+04 : f32
    %div3A_8 = vector.broadcast %div3A_7 : f32 to vector<1x128xf32>
    %div3A_9 = arith.divf %get3A_6, %div3A_8 : vector<1x128xf32>
    %mul3A = arith.mulf %div3A_3, %div3A_3 : vector<1x128xf32>
    %sub3A = arith.subf %div3A_9, %mul3A : vector<1x128xf32>
    %get3A_10 = arith.constant 0 : index
    %get3A_11 = arith.constant 0 : index
    %get3A_12 = vector.load %arg4[%get3A_10, %get3A_11] : memref<1x128xf32, #tpu.memory_space<vmem>>, vector<1x128xf32>
    %add3A = arith.constant 9.99999974E-6 : f32
    %add3A_13 = vector.broadcast %add3A : f32 to vector<1x128xf32>
    %add3A_14 = arith.addf %sub3A, %add3A_13 : vector<1x128xf32>
    %rsqrt3A = math.rsqrt %add3A_14 : vector<1x128xf32>
    %mul3A_15 = arith.mulf %get3A_12, %rsqrt3A : vector<1x128xf32>
    %get3A_16 = arith.constant 0 : index
    %get3A_17 = arith.constant 0 : index
    %get3A_18 = vector.load %arg2[%get3A_16, %get3A_17] : memref<10000x128xf32, #tpu.memory_space<vmem>>, vector<10000x128xf32>
    %sub3A_19 = vector.broadcast %div3A_3 : vector<1x128xf32> to vector<10000x128xf32>
    %sub3A_20 = arith.subf %get3A_18, %sub3A_19 : vector<10000x128xf32>
    %mul3A_21 = vector.broadcast %mul3A_15 : vector<1x128xf32> to vector<10000x128xf32>
    %mul3A_22 = arith.mulf %sub3A_20, %mul3A_21 : vector<10000x128xf32>
    %get3A_23 = arith.constant 0 : index
    %get3A_24 = arith.constant 0 : index
    %get3A_25 = vector.load %arg5[%get3A_23, %get3A_24] : memref<1x128xf32, #tpu.memory_space<vmem>>, vector<1x128xf32>
    %add3A_26 = vector.broadcast %get3A_25 : vector<1x128xf32> to vector<10000x128xf32>
    %add3A_27 = arith.addf %mul3A_22, %add3A_26 : vector<10000x128xf32>
    %swap3A = arith.constant 0 : index
    %swap3A_28 = arith.constant 0 : index
    %swap3A_29 = vector.load %arg6[%swap3A, %swap3A_28] : memref<10000x128xf32, #tpu.memory_space<vmem>>, vector<10000x128xf32>
    tpu.vector_store %arg6[%swap3A, %swap3A_28], %add3A_27 {strides = array<i32>} : memref<10000x128xf32, #tpu.memory_space<vmem>>, vector<10000x128xf32>,
    return
  }
  func.func @transform_0(%arg0: i32, %arg1: i32) -> (i32, i32) {
    %c0_i32 = arith.constant 0 : i32
    return %arg1, %arg0 : i32, i32
  }
  func.func @transform_1(%arg0: i32, %arg1: i32) -> (i32, i32) {
    %c0_i32 = arith.constant 0 : i32
    %c0_i32_0 = arith.constant 0 : i32
    return %c0_i32, %arg0 : i32, i32
  }
  func.func @transform_2(%arg0: i32, %arg1: i32) -> (i32, i32) {
    %c0_i32 = arith.constant 0 : i32
    %c0_i32_0 = arith.constant 0 : i32
    return %c0_i32, %arg0 : i32, i32
  }
  func.func @transform_3(%arg0: i32, %arg1: i32) -> (i32, i32) {
    %c0_i32 = arith.constant 0 : i32
    %c0_i32_0 = arith.constant 0 : i32
    return %c0_i32, %arg0 : i32, i32
  }
  func.func @transform_4(%arg0: i32, %arg1: i32) -> (i32, i32) {
    %mul3A = arith.constant 1 : i32
    %mul3A_0 = arith.muli %arg0, %mul3A : i32
    %add3A = arith.addi %mul3A_0, %arg1 : i32
    %c0_i32 = arith.constant 0 : i32
    %c0_i32_1 = arith.constant 0 : i32
    return %add3A, %c0_i32 : i32, i32
  }
}

module attributes {stable_mosaic.version = 14 : i64} {
  func.func @_norm_full_body(%arg0: i32, %arg1: memref<10000x256xf32, #tpu.memory_space<vmem>>, %arg2: memref<8x256xf32, #tpu.memory_space<vmem>>, %arg3: memref<1x256xf32, #tpu.memory_space<vmem>>, %arg4: memref<1x256xf32, #tpu.memory_space<vmem>>, %arg5: memref<10000x256xf32, #tpu.memory_space<vmem>>) attributes {dimension_semantics = [#tpu.dimension_semantics<arbitrary>], iteration_bounds = array<i64: 1>, scalar_prefetch = 0 : i64, scratch_operands = 0 : i64, tpu.core_type = #tpu.core_type<tc>, window_params = [{transform_indices = @transform_0, window_bounds = array<i64: 10000, 256>}, {pipeline_mode = #tpu.pipeline_mode<synchronous>, transform_indices = @transform_1, window_bounds = array<i64: 8, 256>}, {pipeline_mode = #tpu.pipeline_mode<synchronous>, transform_indices = @transform_2, window_bounds = array<i64: 1, 256>}, {pipeline_mode = #tpu.pipeline_mode<synchronous>, transform_indices = @transform_3, window_bounds = array<i64: 1, 256>}, {transform_indices = @transform_4, window_bounds = array<i64: 10000, 256>}]} {
    %get3A = arith.constant 0 : index
    %get3A_0 = arith.constant 0 : index
    %get3A_1 = vector.load %arg2[%get3A, %get3A_0] : memref<8x256xf32, #tpu.memory_space<vmem>>, vector<1x256xf32>
    %div3A = arith.constant 1.000000e+04 : f32
    %div3A_2 = vector.broadcast %div3A : f32 to vector<1x256xf32>
    %div3A_3 = arith.divf %get3A_1, %div3A_2 : vector<1x256xf32>
    %get3A_4 = arith.constant 1 : index
    %get3A_5 = arith.constant 0 : index
    %get3A_6 = vector.load %arg2[%get3A_4, %get3A_5] : memref<8x256xf32, #tpu.memory_space<vmem>>, vector<1x256xf32>
    %div3A_7 = arith.constant 1.000000e+04 : f32
    %div3A_8 = vector.broadcast %div3A_7 : f32 to vector<1x256xf32>
    %div3A_9 = arith.divf %get3A_6, %div3A_8 : vector<1x256xf32>
    %mul3A = arith.mulf %div3A_3, %div3A_3 : vector<1x256xf32>
    %sub3A = arith.subf %div3A_9, %mul3A : vector<1x256xf32>
    %get3A_10 = arith.constant 0 : index
    %get3A_11 = arith.constant 0 : index
    %get3A_12 = vector.load %arg3[%get3A_10, %get3A_11] : memref<1x256xf32, #tpu.memory_space<vmem>>, vector<1x256xf32>
    %add3A = arith.constant 9.99999974E-6 : f32
    %add3A_13 = vector.broadcast %add3A : f32 to vector<1x256xf32>
    %add3A_14 = arith.addf %sub3A, %add3A_13 : vector<1x256xf32>
    %rsqrt3A = math.rsqrt %add3A_14 : vector<1x256xf32>
    %mul3A_15 = arith.mulf %get3A_12, %rsqrt3A : vector<1x256xf32>
    %get3A_16 = arith.constant 0 : index
    %get3A_17 = arith.constant 0 : index
    %get3A_18 = vector.load %arg1[%get3A_16, %get3A_17] : memref<10000x256xf32, #tpu.memory_space<vmem>>, vector<10000x256xf32>
    %sub3A_19 = vector.broadcast %div3A_3 : vector<1x256xf32> to vector<10000x256xf32>
    %sub3A_20 = arith.subf %get3A_18, %sub3A_19 : vector<10000x256xf32>
    %mul3A_21 = vector.broadcast %mul3A_15 : vector<1x256xf32> to vector<10000x256xf32>
    %mul3A_22 = arith.mulf %sub3A_20, %mul3A_21 : vector<10000x256xf32>
    %get3A_23 = arith.constant 0 : index
    %get3A_24 = arith.constant 0 : index
    %get3A_25 = vector.load %arg4[%get3A_23, %get3A_24] : memref<1x256xf32, #tpu.memory_space<vmem>>, vector<1x256xf32>
    %add3A_26 = vector.broadcast %get3A_25 : vector<1x256xf32> to vector<10000x256xf32>
    %add3A_27 = arith.addf %mul3A_22, %add3A_26 : vector<10000x256xf32>
    %swap3A = arith.constant 0 : index
    %swap3A_28 = arith.constant 0 : index
    %swap3A_29 = vector.load %arg5[%swap3A, %swap3A_28] : memref<10000x256xf32, #tpu.memory_space<vmem>>, vector<10000x256xf32>
    tpu.vector_store %arg5[%swap3A, %swap3A_28], %add3A_27 {strides = array<i32>} : memref<10000x256xf32, #tpu.memory_space<vmem>>, vector<10000x256xf32>,
    return
  }
  func.func @transform_0(%arg0: i32) -> (i32, i32) {
    %c0_i32 = arith.constant 0 : i32
    %c0_i32_0 = arith.constant 0 : i32
    return %arg0, %c0_i32 : i32, i32
  }
  func.func @transform_1(%arg0: i32) -> (i32, i32) {
    %c0_i32 = arith.constant 0 : i32
    %c0_i32_0 = arith.constant 0 : i32
    %c0_i32_1 = arith.constant 0 : i32
    return %c0_i32, %c0_i32_0 : i32, i32
  }
  func.func @transform_2(%arg0: i32) -> (i32, i32) {
    %c0_i32 = arith.constant 0 : i32
    %c0_i32_0 = arith.constant 0 : i32
    %c0_i32_1 = arith.constant 0 : i32
    return %c0_i32, %c0_i32_0 : i32, i32
  }
  func.func @transform_3(%arg0: i32) -> (i32, i32) {
    %c0_i32 = arith.constant 0 : i32
    %c0_i32_0 = arith.constant 0 : i32
    %c0_i32_1 = arith.constant 0 : i32
    return %c0_i32, %c0_i32_0 : i32, i32
  }
  func.func @transform_4(%arg0: i32) -> (i32, i32) {
    %c0_i32 = arith.constant 0 : i32
    %c0_i32_0 = arith.constant 0 : i32
    return %arg0, %c0_i32 : i32, i32
  }
}

</mosaic_0001>

<sc_bundles>
// kernel: kernel.11.cloned.1.call-start
scs
__scs_entry_jumppad:
0x0: {  	(pc) =	sbr.rel $0x88, $3  }
0x1: {  	(tag) =	ssettag $0x0;
	lr =	simm.s32 $0x1  }
0x2: {  	[smem:$0x3F8D] =	sst lr;
	_ =	strace $0xD0000000  }
0x3: {  	_ = 	snop  }
0x4: {  	_ = 	snop  }
0x5: {  	_ = 	snop  }
0x6: {  	_ = 	snop  }
0x7: {  	_ = 	snop  }
__scs_overlays_trampoline_lowered:
0x8: {  	[smem:$0x3F9C] =	sst s0  }
0x9: {  	[smem:$0x3F9D] =	sst s1  }
0xa: {  	[smem:$0x3F9E] =	sst s2  }
0xb: {  	[smem:$0x3F9F] =	sst s3  }
0xc: {  	[smem:$0x3FA0] =	sst s4  }
0xd: {  	[smem:$0x3FA1] =	sst s5  }
0xe: {  	[smem:$0x3FA2] =	sst s6  }
0xf: {  	[smem:$0x3FA3] =	sst s7  }
0x10: {  	[smem:$0x3FA4] =	sst s8  }
0x11: {  	[smem:$0x3FA5] =	sst s9;
	s0 =	simm.s32 @!p0 $0x0  }
0x12: {  	s1 =	sld [smem:$0x3F8B];
	s0 =	simm.s32 @p0 $0x1  }
0x13: {  	[smem:$0x3FA6] =	sst s0;
	s0 =	simm.s32 @!p1 $0x0  }
0x14: {  	s2 =	sld [smem:$0x3F8A];
	s0 =	simm.s32 @p1 $0x1  }
0x15: {  	[smem:$0x3FA7] =	sst s0;
	s0 =	simm.s32 @!p2 $0x0  }
0x16: {  	s3 =	sld [smem:$0x3FDB];
	s0 =	simm.s32 @p2 $0x1  }
0x17: {  	s4 =	simm.s32 $0x1BF5;
	[smem:$0x3FA9] =	sst s0  }
0x18: {  	s0 =	sld [smem:$0x3F8C];
	_ =	swait.ge [sflag:s4], $0x0  }
0x19: {  	s7 =	sld [smem:$0x3F8D]  }
0x1a: {  	s8 =	sadd.s32 $0xFFFFE003, lr  }
0x1b: {  	s9 =	sadd.s32 $0xFFFFFEF7, lr;
	s5 =	simm.s32 $0xFFFFFFFF;
	p2 =	slt.u32 s8, $0xFFFFF086  }
0x1c: {  	p1 =	slt.u32 s9, $0xF7A;
	s5 =	simm.s32 @!p2 $0x0  }
0x1d: {  	s5 =	simm.s32 @p1 $0x1;
	p0 =	seq.s32 s7, s2  }
0x1e: {  	s7 =	smul.u32 @!p0 $0xF7A, s2;
	p2 =	seq.s32 @!p0 s5, $0x0  }
0x1f: {  	s9 =	smul.u32 $0xF7A, s1;
	s8 =	simm.s32 @!p0 $0x1BF5;
	p2 =	por !p2, p0  }
0x20: {  	[sflag:s8] =	ssyncset.s32 @!p0 $0xFFFFF086;
	s6 =	sadd.s32 @!p0 s3, s7;
	s7 =	simm.s32 @!p0 $0x108  }
0x21: {  	s3 =	sadd.s32 s3, s9;
	s6 =	sadd.s32 @!p0 $0x88, s6;
	s7 =	simm.s32 @p2 $0x1082  }
0x22: {  	[simem:s7], [sflag:s8] =	dma.local @!p0 [hbm:s6], $0xF7A  }
0x23: {  	s9 =	sor.u32 $0xD0000000, s2;
	s6 =	simm.s32 $0x108;
	_ =	swait.ge @!p0 [sflag:s8], $0x0  }
0x24: {  	s3 =	sadd.s32 $0x88, s3;
	s6 =	simm.s32 @!p1 $0x1082;
	[sflag:s4] =	ssyncset.s32 $0xFFFFF086  }
0x25: {  	[simem:s6], [sflag:s4] =	dma.local [hbm:s3], $0xF7A  }
0x26: {  	[smem:$0x3F8D] =	sst s1;
	(tag) =	ssettag s2;
	_ =	strace s9  }
0x27: {  	s1 =	sld [smem:$0x3F9D]  }
0x28: {  	s2 =	sld [smem:$0x3F9E]  }
0x29: {  	s4 =	sld [smem:$0x3FA0]  }
0x2a: {  	p0 =	seq.s32 s5, $0x0;
	s5 =	sld [smem:$0x3FA1]  }
0x2b: {  	s6 =	sld [smem:$0x3FA2]  }
0x2c: {  	s7 =	sld [smem:$0x3FA3]  }
0x2d: {  	s3 =	simm.s32 $0x108;
	s8 =	sld [smem:$0x3FA4]  }
0x2e: {  	s3 =	simm.s32 @!p0 $0x1082;
	s9 =	sld [smem:$0x3FA5]  }
0x2f: {  	lr =	sadd.s32 s0, s3;
	s0 =	sld [smem:$0x3F9C]  }
0x30: {  	s3 =	sld [smem:$0x3F9F]  }
0x31: {  	[smem:$0x3FA8] =	sst s10  }
0x32: {  	s10 =	sld [smem:$0x3FA6];
	_ =	sdelay $0x3  }
0x33: {  	p0 =	seq.s32 s10, $0x1;
	s10 =	sld [smem:$0x3FA8];
	_ =	sdelay $0x3  }
0x34: {  	[smem:$0x3FA8] =	sst s10  }
0x35: {  	s10 =	sld [smem:$0x3FA7];
	_ =	sdelay $0x3  }
0x36: {  	p1 =	seq.s32 s10, $0x1;
	s10 =	sld [smem:$0x3FA8];
	_ =	sdelay $0x3  }
0x37: {  	[smem:$0x3FA8] =	sst s10  }
0x38: {  	s10 =	sld [smem:$0x3FA9]  }
0x39: {  	_ = 	snop;
	(pc) =	sbr.ind lr, $3  }
0x3a: {  	_ = 	snop  }
0x3b: {  	_ = 	snop  }
0x3c: {  	p2 =	seq.s32 s10, $0x1;
	s10 =	sld [smem:$0x3FA8]  }
0x3d: {  	_ =	shalt  }
0x3e: {  	_ =	shalt  }
0x3f: {  	_ =	shalt  }
0x40: {  	_ =	shalt  }
0x41: {  	_ =	shalt  }
0x42: {  	_ =	shalt  }
0x43: {  	_ =	shalt  }
0x44: {  	_ =	shalt  }
0x45: {  	_ =	shalt  }
0x46: {  	_ =	shalt  }
0x47: {  	_ =	shalt  }
0x48: {  	_ =	shalt  }
0x49: {  	_ =	shalt  }
0x4a: {  	_ =	shalt  }
0x4b: {  	_ =	shalt  }
0x4c: {  	_ =	shalt  }
0x4d: {  	_ =	shalt  }
0x4e: {  	_ =	shalt  }
0x4f: {  	_ =	shalt  }
0x50: {  	_ =	shalt  }
0x51: {  	_ =	shalt  }
0x52: {  	_ =	shalt  }
0x53: {  	_ =	shalt  }
0x54: {  	_ =	shalt  }
0x55: {  	_ =	shalt  }
0x56: {  	_ =	shalt  }
0x57: {  	_ =	shalt  }
0x58: {  	_ =	shalt  }
0x59: {  	_ =	shalt  }
0x5a: {  	_ =	shalt  }
0x5b: {  	_ =	shalt  }
0x5c: {  	_ =	shalt  }
0x5d: {  	_ =	shalt  }
0x5e: {  	_ =	shalt  }
0x5f: {  	_ =	shalt  }
0x60: {  	_ =	shalt  }
0x61: {  	_ =	shalt  }
0x62: {  	_ =	shalt  }
0x63: {  	_ =	shalt  }
0x64: {  	_ =	shalt  }
0x65: {  	_ =	shalt  }
0x66: {  	_ =	shalt  }
0x67: {  	_ =	shalt  }
0x68: {  	_ =	shalt  }
0x69: {  	_ =	shalt  }
0x6a: {  	_ =	shalt  }
0x6b: {  	_ =	shalt  }
0x6c: {  	_ =	shalt  }
0x6d: {  	_ =	shalt  }
0x6e: {  	_ =	shalt  }
0x6f: {  	_ =	shalt  }
0x70: {  	_ =	shalt  }
0x71: {  	_ =	shalt  }
0x72: {  	_ =	shalt  }
0x73: {  	_ =	shalt  }
0x74: {  	_ =	shalt  }
0x75: {  	_ =	shalt  }
0x76: {  	_ =	shalt  }
0x77: {  	_ =	shalt  }
0x78: {  	_ =	shalt  }
0x79: {  	_ =	shalt  }
0x7a: {  	_ =	shalt  }
0x7b: {  	_ =	shalt  }
0x7c: {  	_ =	shalt  }
0x7d: {  	_ =	shalt  }
0x7e: {  	_ =	shalt  }
0x7f: {  	_ =	shalt  }
0x80: {  	_ =	shalt  }
0x81: {  	_ =	shalt  }
0x82: {  	_ =	shalt  }
0x83: {  	_ =	shalt  }
0x84: {  	_ =	shalt  }
0x85: {  	_ =	shalt  }
0x86: {  	_ =	shalt  }
0x87: {  	_ =	shalt  }
.Lfunc_end0:
.L_simem_size_0:
called_computation_lowered:
.L_overlay_start_0:
0x88: {  	s2 =	sld [smem:$0x3FD9]  }
0x89: {  	s3 =	sld [smem:$0x3FFE];
	_ =	sdelay $0x1  }
0x8a: {  	s1 =	srdreg.scid  }
0x8b: {  	s0 =	sand.u32 $0x1, s1  }
0x8c: {  	s17 =	sshll.u32 s0, $0xA;
	s2 =	sadd.s32 s3, s2  }
0x8d: {  	s2 =	sadd.s32 s2, s17  }
0x8e: {  	[smem:$0x3FB4] =	sst s2  }
0x8f: {  	_ = 	snop  }
0x90: {  	s2 =	sld [smem:$0x3FD0];
	(tm) =	ssettm $0x1  }
0x91: {  	s18 =	sld [smem:$0x3FFB];
	_ =	sdelay $0x3  }
0x92: {  	_ =	strace s18  }
0x93: {  	s3 =	sld [smem:$0x3FFC];
	_ =	sdelay $0x3  }
0x94: {  	_ =	strace s3  }
0x95: {  	s3 =	sld [smem:$0x3FFD];
	_ =	sdelay $0x3  }
0x96: {  	_ =	strace s3  }
0x97: {  	_ =	strace $0x8FFFFFFF  }
0x98: {  	s19 =	sld [smem:$0x3FDB];
	_ =	sdelay $0x1  }
0x99: {  	s4 =	simm.s32 $_scs_section_size  }
0x9a: {  	s5 =	simm.s32 $_size__tile_overlayer_lowered;
	s6 =	simm.s32 $_tile_overlayer_lowered  }
0x9b: {  	s22 =	simm.s32 $0x1BFF;
	s21 =	sshll.u32 s6, $0x1;
	s3 =	sadd.s32 s4, s19  }
0x9c: {  	s7 =	simm.s32 $0x0;
	s20 =	sshll.u32 s5, $0x1;
	s5 =	sadd.s32 s21, s3  }
0x9d: {  	[timem:s7], [sflag:s22] =	dma.local [hbm:s5], s20  }
0x9e: {  	_ =	swait.ge [sflag:s22], s20  }
0x9f: {  	s4 =	ssub.s32 $0x0, s20;
	[sflag:s22] =	ssyncset.done $0x0  }
0xa0: {  	[sflag:s22] =	ssyncadd.s32 s4;
	_ =	sdelay $0x1  }
0xa1: {  	s23 =	simm.s32 $0x1B8B  }
0xa2: {  	_ =	swait.ge [sflag:s23], $0x1  }
0xa3: {  	[sflag:s23] =	ssyncset.done $0x0  }
0xa4: {  	s25 =	simm.s32 $0x1B8E;
	s24 =	sld [smem:$0x3FFE];
	[sflag:s23] =	ssyncadd.s32 $0xFFFFFFFF  }
0xa5: {  	s26 =	simm.s32 $execute0_lowered;
	[smem:$0x3FD2] =	sst s25  }
0xa6: {  	s5 =	sshll.u32 s26, $0x1;
	_ =	strace $0x80000046;
	[dreg:$0x1] =	wrdreg $0xFFFFFFFF  }
0xa7: {  	s28 =	simm.s32 $_size_execute0_lowered;
	s3 =	sadd.s32 s3, s5;
	[dreg:$0x0] =	wrdreg $0x0  }
0xa8: {  	s5 =	sshll.u32 s28, $0x1;
	[dreg:$0x2] =	wrdreg s3  }
0xa9: {  	[dreg:$0x3] =	wrdreg s5  }
0xaa: {  	[dreg:$0x4] =	wrdreg $0xC0  }
0xab: {  	_ =	task [dreg:s7], $0x5FFFF  }
0xac: {  	[dreg:$0x1] =	wrdreg $0xFFFFFFFF  }
0xad: {  	[dreg:$0x0] =	wrdreg $0x60  }
0xae: {  	[dreg:$0x2] =	wrdreg s24  }
0xaf: {  	[dreg:$0x3] =	wrdreg s2  }
0xb0: {  	[dreg:$0x4] =	wrdreg $0xC6200  }
0xb1: {  	[dreg:$0x5] =	wrdreg $0x9  }
0xb2: {  	_ =	task.clear_ibuf [dreg:s7], $0x6FFFF;
	_ =	strace $0x90000046  }
0xb3: {  	s29 =	simm.s32 $0x9;
	_ =	strace $0x80000048  }
0xb4: {  	_ =	swait.ge [sflag:s29], $0x1  }
0xb5: {  	[sflag:s29] =	ssyncadd.s32 $0xFFFFFFFF  }
0xb6: {  	_ =	strace $0x90000048  }
0xb7: {  	_ =	sfence  }
0xb8: {  	s30 =	sld [smem:$0x0];
	_ =	sdelay $0x2  }
0xb9: {  	s31 =	sshll.u32 s1, $0xD;
	s1 =	sshrl.u32 s1, $0x2  }
0xba: {  	s3 =	sand.u32 $0x4000, s31;
	s1 =	sadd.s32 s1, s30  }
0xbb: {  	s0 =	sor.u32 s3, s0;
	s1 =	sshll.u32 s1, $0x11  }
0xbc: {  	s0 =	sor.u32 s1, s0  }
0xbd: {  	s0 =	sadd.s32 $0x8F2B, s0  }
0xbe: {  	[sflag:s0] =	ssyncadd.remote.s32 $0x1  }
0xbf: {  	_ =	sfence.sel $0xFFFF  }
0xc0: {  	[dreg:$0x0] =	wrdreg $0xFFFFFFFF;
	(pc) =	sbr.abs _section_cstart, $3  }
0xc1: {  	[dreg:$0x1] =	wrdreg $0xFFFFFFFF  }
0xc2: {  	_ =	task.clear_ibuf [dreg:s7], $0x2FFFF;
	_ =	strace $0x9FFFFFFF  }
0xc3: {  	(tm) =	ssettm $0x7FFFFFFF  }
tec
execute0_lowered:
.L_overlay_start_1:
0x0: {  	(tag) =	ssettag $0x1  }
0x1: {  	s0 =	rddreg [dreg:$0x0]  }
0x2: {  	s2 =	rddreg [dreg:$0x1]  }
0x3: {  	s3 =	rddreg [dreg:$0x2];
	s1 =	srdreg.scid  }
0x4: {  	s5 =	stileid.u32;
	s4 =	simm.s32 $0x0;
	s31 =	simm.s32 $0x1  }
0x5: {  	s1 =	sand.u32 $0x1, s1;
	s16 =	smul.u32 $0x2710, s5;
	[smem:$0x7FF] =	sst s4  }
0x6: {  	s19 =	sadd.s32 $0x8600, s0;
	s20 =	sadd.s32 $0x3600, s0;
	s6 =	smul.u32 $0x4E200, s5  }
0x7: {  	s7 =	sadd.s32 $0x12400, s0;
	s18 =	smul.u32 $0x27100, s1;
	s1 =	ssub.s32 $0x2, s1  }
0x8: {  	_ =	strace $0x80000047;
	[dreg:$0x4] =	wrdreg s7;
	s15 =	sshrl.u32 s1, $0x1  }
0x9: {  	s8 =	sshrl.u32 s6, $0x2;
	s6 =	sshll.u32 s5, $0x6;
	s14 =	sadd.s32 $0x7D0, s16  }
0xa: {  	s22 =	sshrl.u32 s16, $0x3;
	s10 =	sadd.s32 s16, s18;
	s1 =	ssub.s32 s1, s15  }
0xb: {  	s7 =	sadd.s32 s8, s3;
	s8 =	sor.u32 $0x1C07, s6;
	s21 =	sadd.s32 s18, s14  }
0xc: {  	s12 =	sadd.s32 s20, s22;
	s24 =	sshrl.u32 s14, $0x3;
	s22 =	sadd.s32 $0x1F40, s16  }
0xd: {  	s0 =	sadd.s32 s10, s0;
	s17 =	sshrl.u32 s10, $0x3;
	s10 =	smax.u32 s1, $0x1  }
0xe: {  	s14 =	sadd.s32 s20, s24;
	s28 =	sadd.s32 s18, s22;
	s30 =	sshrl.u32 s22, $0x3  }
0xf: {  	s1 =	simm.s32 $0x7;
	s22 =	simm.s32 $0x8;
	s9 =	sadd.s32 $0x14C00, s0  }
0x10: {  	s11 =	sadd.s32 s19, s17;
	s0 =	sshrl.u32 s21, $0x3;
	s17 =	sadd.s32 $0xFA0, s16  }
0x11: {  	s21 =	sadd.s32 $0x1770, s16;
	s13 =	sadd.s32 s19, s0;
	s23 =	sadd.s32 s18, s17  }
0x12: {  	s25 =	sadd.s32 s18, s21;
	s26 =	sshrl.u32 s17, $0x3;
	s29 =	sshrl.u32 s21, $0x3  }
0x13: {  	s21 =	simm.s32 $0x50;
	s0 =	sshrl.u32 s23, $0x3;
	s16 =	sadd.s32 s20, s26  }
0x14: {  	s18 =	sadd.s32 s20, s29;
	s15 =	sadd.s32 s19, s0;
	s0 =	sshrl.u32 s25, $0x3  }
0x15: {  	s20 =	sadd.s32 s20, s30;
	s17 =	sadd.s32 s19, s0;
	s0 =	sshrl.u32 s28, $0x3  }
0x16: {  	s23 =	simm.s32 $0x0;
	s19 =	sadd.s32 s19, s0;
	s0 =	simm.s32 $0x2  }
.LBB2_1:
0x17: {  	s24 =	sshrl.u32 s7, $0x3;
	s5 =	rddreg [dreg:$0x4]  }
0x18: {  	[spmem:s24], [sflag:s8] =	dma.local [hbm:s5], $0x2710  }
0x19: {  	[tilespmem:s4], [sflag:$0x1] =	stream.linear.gather [hbm4b:s11+s4], $0x7D0, $0x38;
	[tilespmem:$0x1FEA0] =	vst v63  }
0x1a: {  	s30 =	simm.s32 $0x2710  }
0x1b: {  	[tilespmem:s30], [sflag:$0x2] =	stream.linear.gather [hbm4b:s12+s4], $0x7D0, $0x38;
	[tilespmem:$0x1FEA0] =	vst v63  }
0x1c: {  	s25 =	simm.s32 $0x7D0  }
0x1d: {  	[tilespmem:s25], [sflag:$0x1] =	stream.linear.gather [hbm4b:s13+s4], $0x7D0, $0x38;
	[tilespmem:$0x1FEA0] =	vst v63  }
0x1e: {  	s26 =	simm.s32 $0x2EE0  }
0x1f: {  	[tilespmem:s26], [sflag:$0x2] =	stream.linear.gather [hbm4b:s14+s4], $0x7D0, $0x38;
	[tilespmem:$0x1FEA0] =	vst v63  }
0x20: {  	s29 =	simm.s32 $0xFA0  }
0x21: {  	[tilespmem:s29], [sflag:$0x1] =	stream.linear.gather [hbm4b:s15+s4], $0x7D0, $0x38;
	[tilespmem:$0x1FEA0] =	vst v63  }
0x22: {  	s30 =	simm.s32 $0x36B0  }
0x23: {  	[tilespmem:s30], [sflag:$0x2] =	stream.linear.gather [hbm4b:s16+s4], $0x7D0, $0x38;
	[tilespmem:$0x1FEA0] =	vst v63  }
0x24: {  	s25 =	simm.s32 $0x1770  }
0x25: {  	[tilespmem:s25], [sflag:$0x1] =	stream.linear.gather [hbm4b:s17+s4], $0x7D0, $0x38;
	[tilespmem:$0x1FEA0] =	vst v63  }
0x26: {  	s26 =	simm.s32 $0x3E80  }
0x27: {  	[tilespmem:s26], [sflag:$0x2] =	stream.linear.gather [hbm4b:s18+s4], $0x7D0, $0x38;
	[tilespmem:$0x1FEA0] =	vst v63  }
0x28: {  	s29 =	simm.s32 $0x1F40  }
0x29: {  	[tilespmem:s29], [sflag:$0x1] =	stream.linear.gather [hbm4b:s19+s4], $0x7D0, $0x38;
	[tilespmem:$0x1FEA0] =	vst v63  }
0x2a: {  	s30 =	simm.s32 $0x4650  }
0x2b: {  	[tilespmem:s30], [sflag:$0x2] =	stream.linear.gather [hbm4b:s20+s4], $0x7D0, $0x38;
	[tilespmem:$0x1FEA0] =	vst v63  }
0x2c: {  	_ =	swait.ge [sflag:s31], $0x7D0  }
0x2d: {  	[sflag:s31] =	ssyncset.done $0x0  }
0x2e: {  	[sflag:s31] =	ssyncadd.s32 $0xFFFFF830  }
0x2f: {  	_ =	swait.ge [sflag:s0], $0x7D0  }
0x30: {  	[sflag:s0] =	ssyncset.done $0x0  }
0x31: {  	[sflag:s0] =	ssyncadd.s32 $0xFFFFF830  }
0x32: {  	_ =	swait.ge [sflag:s31], $0x7D0  }
0x33: {  	[sflag:s31] =	ssyncset.done $0x0  }
0x34: {  	[sflag:s31] =	ssyncadd.s32 $0xFFFFF830  }
0x35: {  	_ =	swait.ge [sflag:s0], $0x7D0  }
0x36: {  	[sflag:s0] =	ssyncset.done $0x0  }
0x37: {  	[sflag:s0] =	ssyncadd.s32 $0xFFFFF830  }
0x38: {  	_ =	swait.ge [sflag:s31], $0x7D0  }
0x39: {  	[sflag:s31] =	ssyncset.done $0x0  }
0x3a: {  	[sflag:s31] =	ssyncadd.s32 $0xFFFFF830  }
0x3b: {  	_ =	swait.ge [sflag:s0], $0x7D0  }
0x3c: {  	[sflag:s0] =	ssyncset.done $0x0  }
0x3d: {  	[sflag:s0] =	ssyncadd.s32 $0xFFFFF830  }
0x3e: {  	_ =	swait.ge [sflag:s31], $0x7D0  }
0x3f: {  	[sflag:s31] =	ssyncset.done $0x0  }
0x40: {  	[sflag:s31] =	ssyncadd.s32 $0xFFFFF830  }
0x41: {  	_ =	swait.ge [sflag:s0], $0x7D0  }
0x42: {  	[sflag:s0] =	ssyncset.done $0x0  }
0x43: {  	[sflag:s0] =	ssyncadd.s32 $0xFFFFF830  }
0x44: {  	_ =	swait.ge [sflag:s31], $0x7D0  }
0x45: {  	[sflag:s31] =	ssyncset.done $0x0  }
0x46: {  	[sflag:s31] =	ssyncadd.s32 $0xFFFFF830  }
0x47: {  	_ =	swait.ge [sflag:s0], $0x7D0  }
0x48: {  	[sflag:s0] =	ssyncset.done $0x0  }
0x49: {  	[sflag:s0] =	ssyncadd.s32 $0xFFFFF830  }
0x4a: {  	_ =	swait.ge [sflag:s1], $0x2710  }
0x4b: {  	[sflag:s1] =	ssyncset.done $0x0  }
0x4c: {  	s28 =	simm.s32 $0x0;
	[sflag:s1] =	ssyncadd.s32 $0xFFFFD8F0  }
0x4d: {  	s25 =	simm.s32 $0x26C0;
	s26 =	simm.s32 $0x0;
	[bflag:$0x0] =	sbarrier.arrive $0xFFFF  }
.LBB2_2:
0x4e: {  	s29 =	smul.u32 $0xAB, s28;
	_ =	sdelay $0x1  }
0x4f: {  	s29 =	sshrl.u32 s29, $0x9  }
0x50: {  	s29 =	sand.u32 $0x7F, s29  }
0x51: {  	s29 =	smul.u32 $0x3, s29;
	_ =	sdelay $0x1  }
0x52: {  	s29 =	ssub.s32 s28, s29  }
0x53: {  	p0 =	slt.u32 s28, $0x3;
	s29 =	sand.u32 $0xFF, s29  }
0x54: {  	s30 =	sadd.s32 @!p0 $0x4, s29  }
0x55: {  	p1 =	sgt.u32 @!p0 s28, $0x7C;
	_ =	swait.ge @!p0 [sflag:s30], $0x2800  }
0x56: {  	p1 =	por p0, !p1;
	[sflag:s30] =	ssyncset.done @!p0 $0x0  }
0x57: {  	[sflag:s30] =	ssyncadd.s32 @!p0 $0xFFFFD800;
	s30 =	smul.u32 @p1 $0xA000, s29;
	_ =	sdelay $0x1  }
0x58: {  	s30 =	sshrl.u32 @p1 s30, $0x2  }
0x59: {  	s29 =	sadd.s32 @p1 $0x1, s29;
	s30 =	sadd.s32 @p1 $0x4E20, s30  }
0x5a: {  	[tilespmem:s30], [sflag:s29] =	stream.indirect.gather @p1 [hbm4b:s2+s21], $0x80, s26, s21, $0xb8;
	[tilespmem:$0x1FEA0] =	vst v63  }
0x5b: {  	s29 =	sadd.s32 $0x2, s28  }
0x5c: {  	s5 =	sand.u32 $0xFF, s29  }
0x5d: {  	s30 =	smul.u32 $0xAB, s5;
	_ =	sdelay $0x1  }
0x5e: {  	s30 =	sshrl.u32 s30, $0x9  }
0x5f: {  	s30 =	smul.u32 $0x3, s30;
	_ =	sdelay $0x1  }
0x60: {  	s5 =	sadd.s32 $0xFFFFFFFF, s28;
	s29 =	ssub.s32 s29, s30  }
0x61: {  	p0 =	sgt.u32 s5, $0x7C;
	s29 =	sand.u32 $0xFF, s29  }
0x62: {  	s30 =	smul.u32 @!p0 $0xA000, s29  }
0x63: {  	s5 =	sadd.s32 @!p0 $0x1, s29  }
0x64: {  	_ =	swait.ge @!p0 [sflag:s5], $0x2800;
	s30 =	sshrl.u32 @!p0 s30, $0x2  }
0x65: {  	s28 =	sadd.s32 $0x1, s28;
	[sflag:s5] =	ssyncset.done @!p0 $0x0;
	s30 =	sadd.s32 @!p0 $0x4E20, s30  }
0x66: {  	[sflag:s5] =	ssyncadd.s32 @!p0 $0xFFFFD800;
	s5 =	sadd.s32 @!p0 $0x4, s29;
	s29 =	simm.s32 @!p0 $0x50  }
0x67: {  	[spmem:s3] =	stream.indirect.scatter.add.f32 @!p0 [tilespmem:s30], [sflag:s5], $0x80, s25, s29, $0xb8;
	[tilespmem:$0x1FEA0] =	vst v63  }
0x68: {  	p0 =	sne.s32 s28, $0x80  }
.Ltmp0:
0x69: {  	_ = 	snop;
	(pc) =	sbr.rel @p0 .LBB2_2-.Ltmp0, $2  }
0x6a: {  	_ =	sdelay $0x2  }
0x6b: {  	s26 =	sadd.s32 $0x50, s26;
	s25 =	sadd.s32 $0x50, s25  }
0x6c: {  	s23 =	sadd.s32 $0x1, s23  }
0x6d: {  	p0 =	sne.s32 s23, s10  }
.Ltmp1:
0x6e: {  	[bflag:$0x0] =	sbarrier.arrive $0xFFFF;
	s5 =	sor.u32 $0x1C08, s6;
	(pc) =	sbr.rel @p0 .LBB2_1-.Ltmp1, $4  }
0x6f: {  	[hbm:s9], [sflag:s5] =	dma.local [spmem:s24], $0x2710  }
0x70: {  	_ =	swait.ge [sflag:s22], $0x2710  }
0x71: {  	[sflag:s22] =	ssyncset.done $0x0  }
0x72: {  	[sflag:s22] =	ssyncadd.s32 $0xFFFFD8F0  }
0x73: {  	_ =	sfence.sel $0x180000  }
0x74: {  	[bflag:$0x0] =	sbarrier.arrive $0xFFFF  }
0x75: {  	_ =	strace $0x90000047  }
0x76: {  	s0 =	stileid.u32;
	[bflag:$0x2] =	sbarrier.arrive $0xFFFF  }
0x77: {  	p0 =	sne.s32 s0, $0x0;
	s0 =	rddreg [dreg:$0x3]  }
0x78: {  	s0 =	sadd.s32 @!p0 $0x100000, s0  }
0x79: {  	[sflag:s0] =	ssyncadd.tile.s32 @!p0 $0x1;
	_ =	shalt  }
.Lfunc_end2:
_tile_overlayer_lowered:
.L_overlay_start_2:
0x7a: {  	(tag) =	ssettag $0x2  }
0x7b: {  	s0 =	rddreg [dreg:$0x0];
	s2 =	stileid.u32  }
0x7c: {  	s1 =	rddreg [dreg:$0x1];
	p0 =	sne.s32 s2, $0x0  }
0x7d: {  	s3 =	rddreg [dreg:$0x2];
	[bflag:$0x3] =	sbarrier.arrive $0xFFFF;
	s2 =	simm.s32 @!p0 $0x1C08  }
0x7e: {  	[timem:s3], [sflag:s2] =	dma.local @!p0 [hbm:s0], s1  }
0x7f: {  	s0 =	simm.s32 @!p0 $0x8  }
0x80: {  	_ =	swait.ge @!p0 [sflag:s0], s1  }
0x81: {  	s1 =	ssub.s32 @!p0 $0x0, s1;
	[sflag:s0] =	ssyncset.done @!p0 $0x0  }
0x82: {  	[sflag:s0] =	ssyncadd.s32 @!p0 s1  }
0x83: {  	[bflag:$0x3] =	sbarrier.arrive $0xFFFF  }
0x84: {  	_ =	shalt  }

// kernel: kernel.14.cloned.1.call-start
scs
__scs_entry_jumppad:
0x0: {  	(pc) =	sbr.rel $0x88, $3  }
0x1: {  	(tag) =	ssettag $0x0;
	lr =	simm.s32 $0x1  }
0x2: {  	[smem:$0x3F8D] =	sst lr;
	_ =	strace $0xD0000000  }
0x3: {  	_ = 	snop  }
0x4: {  	_ = 	snop  }
0x5: {  	_ = 	snop  }
0x6: {  	_ = 	snop  }
0x7: {  	_ = 	snop  }
__scs_overlays_trampoline_lowered:
0x8: {  	[smem:$0x3F9C] =	sst s0  }
0x9: {  	[smem:$0x3F9D] =	sst s1  }
0xa: {  	[smem:$0x3F9E] =	sst s2  }
0xb: {  	[smem:$0x3F9F] =	sst s3  }
0xc: {  	[smem:$0x3FA0] =	sst s4  }
0xd: {  	[smem:$0x3FA1] =	sst s5  }
0xe: {  	[smem:$0x3FA2] =	sst s6  }
0xf: {  	[smem:$0x3FA3] =	sst s7  }
0x10: {  	[smem:$0x3FA4] =	sst s8  }
0x11: {  	[smem:$0x3FA5] =	sst s9;
	s0 =	simm.s32 @!p0 $0x0  }
0x12: {  	s1 =	sld [smem:$0x3F8B];
	s0 =	simm.s32 @p0 $0x1  }
0x13: {  	[smem:$0x3FA6] =	sst s0;
	s0 =	simm.s32 @!p1 $0x0  }
0x14: {  	s2 =	sld [smem:$0x3F8A];
	s0 =	simm.s32 @p1 $0x1  }
0x15: {  	[smem:$0x3FA7] =	sst s0;
	s0 =	simm.s32 @!p2 $0x0  }
0x16: {  	s3 =	sld [smem:$0x3FDB];
	s0 =	simm.s32 @p2 $0x1  }
0x17: {  	s4 =	simm.s32 $0x1BF5;
	[smem:$0x3FA9] =	sst s0  }
0x18: {  	s0 =	sld [smem:$0x3F8C];
	_ =	swait.ge [sflag:s4], $0x0  }
0x19: {  	s7 =	sld [smem:$0x3F8D]  }
0x1a: {  	s8 =	sadd.s32 $0xFFFFE003, lr  }
0x1b: {  	s9 =	sadd.s32 $0xFFFFFEF7, lr;
	s5 =	simm.s32 $0xFFFFFFFF;
	p2 =	slt.u32 s8, $0xFFFFF086  }
0x1c: {  	p1 =	slt.u32 s9, $0xF7A;
	s5 =	simm.s32 @!p2 $0x0  }
0x1d: {  	s5 =	simm.s32 @p1 $0x1;
	p0 =	seq.s32 s7, s2  }
0x1e: {  	s7 =	smul.u32 @!p0 $0xF7A, s2;
	p2 =	seq.s32 @!p0 s5, $0x0  }
0x1f: {  	s9 =	smul.u32 $0xF7A, s1;
	s8 =	simm.s32 @!p0 $0x1BF5;
	p2 =	por !p2, p0  }
0x20: {  	[sflag:s8] =	ssyncset.s32 @!p0 $0xFFFFF086;
	s6 =	sadd.s32 @!p0 s3, s7;
	s7 =	simm.s32 @!p0 $0x108  }
0x21: {  	s3 =	sadd.s32 s3, s9;
	s6 =	sadd.s32 @!p0 $0x88, s6;
	s7 =	simm.s32 @p2 $0x1082  }
0x22: {  	[simem:s7], [sflag:s8] =	dma.local @!p0 [hbm:s6], $0xF7A  }
0x23: {  	s9 =	sor.u32 $0xD0000000, s2;
	s6 =	simm.s32 $0x108;
	_ =	swait.ge @!p0 [sflag:s8], $0x0  }
0x24: {  	s3 =	sadd.s32 $0x88, s3;
	s6 =	simm.s32 @!p1 $0x1082;
	[sflag:s4] =	ssyncset.s32 $0xFFFFF086  }
0x25: {  	[simem:s6], [sflag:s4] =	dma.local [hbm:s3], $0xF7A  }
0x26: {  	[smem:$0x3F8D] =	sst s1;
	(tag) =	ssettag s2;
	_ =	strace s9  }
0x27: {  	s1 =	sld [smem:$0x3F9D]  }
0x28: {  	s2 =	sld [smem:$0x3F9E]  }
0x29: {  	s4 =	sld [smem:$0x3FA0]  }
0x2a: {  	p0 =	seq.s32 s5, $0x0;
	s5 =	sld [smem:$0x3FA1]  }
0x2b: {  	s6 =	sld [smem:$0x3FA2]  }
0x2c: {  	s7 =	sld [smem:$0x3FA3]  }
0x2d: {  	s3 =	simm.s32 $0x108;
	s8 =	sld [smem:$0x3FA4]  }
0x2e: {  	s3 =	simm.s32 @!p0 $0x1082;
	s9 =	sld [smem:$0x3FA5]  }
0x2f: {  	lr =	sadd.s32 s0, s3;
	s0 =	sld [smem:$0x3F9C]  }
0x30: {  	s3 =	sld [smem:$0x3F9F]  }
0x31: {  	[smem:$0x3FA8] =	sst s10  }
0x32: {  	s10 =	sld [smem:$0x3FA6];
	_ =	sdelay $0x3  }
0x33: {  	p0 =	seq.s32 s10, $0x1;
	s10 =	sld [smem:$0x3FA8];
	_ =	sdelay $0x3  }
0x34: {  	[smem:$0x3FA8] =	sst s10  }
0x35: {  	s10 =	sld [smem:$0x3FA7];
	_ =	sdelay $0x3  }
0x36: {  	p1 =	seq.s32 s10, $0x1;
	s10 =	sld [smem:$0x3FA8];
	_ =	sdelay $0x3  }
0x37: {  	[smem:$0x3FA8] =	sst s10  }
0x38: {  	s10 =	sld [smem:$0x3FA9]  }
0x39: {  	_ = 	snop;
	(pc) =	sbr.ind lr, $3  }
0x3a: {  	_ = 	snop  }
0x3b: {  	_ = 	snop  }
0x3c: {  	p2 =	seq.s32 s10, $0x1;
	s10 =	sld [smem:$0x3FA8]  }
0x3d: {  	_ =	shalt  }
0x3e: {  	_ =	shalt  }
0x3f: {  	_ =	shalt  }
0x40: {  	_ =	shalt  }
0x41: {  	_ =	shalt  }
0x42: {  	_ =	shalt  }
0x43: {  	_ =	shalt  }
0x44: {  	_ =	shalt  }
0x45: {  	_ =	shalt  }
0x46: {  	_ =	shalt  }
0x47: {  	_ =	shalt  }
0x48: {  	_ =	shalt  }
0x49: {  	_ =	shalt  }
0x4a: {  	_ =	shalt  }
0x4b: {  	_ =	shalt  }
0x4c: {  	_ =	shalt  }
0x4d: {  	_ =	shalt  }
0x4e: {  	_ =	shalt  }
0x4f: {  	_ =	shalt  }
0x50: {  	_ =	shalt  }
0x51: {  	_ =	shalt  }
0x52: {  	_ =	shalt  }
0x53: {  	_ =	shalt  }
0x54: {  	_ =	shalt  }
0x55: {  	_ =	shalt  }
0x56: {  	_ =	shalt  }
0x57: {  	_ =	shalt  }
0x58: {  	_ =	shalt  }
0x59: {  	_ =	shalt  }
0x5a: {  	_ =	shalt  }
0x5b: {  	_ =	shalt  }
0x5c: {  	_ =	shalt  }
0x5d: {  	_ =	shalt  }
0x5e: {  	_ =	shalt  }
0x5f: {  	_ =	shalt  }
0x60: {  	_ =	shalt  }
0x61: {  	_ =	shalt  }
0x62: {  	_ =	shalt  }
0x63: {  	_ =	shalt  }
0x64: {  	_ =	shalt  }
0x65: {  	_ =	shalt  }
0x66: {  	_ =	shalt  }
0x67: {  	_ =	shalt  }
0x68: {  	_ =	shalt  }
0x69: {  	_ =	shalt  }
0x6a: {  	_ =	shalt  }
0x6b: {  	_ =	shalt  }
0x6c: {  	_ =	shalt  }
0x6d: {  	_ =	shalt  }
0x6e: {  	_ =	shalt  }
0x6f: {  	_ =	shalt  }
0x70: {  	_ =	shalt  }
0x71: {  	_ =	shalt  }
0x72: {  	_ =	shalt  }
0x73: {  	_ =	shalt  }
0x74: {  	_ =	shalt  }
0x75: {  	_ =	shalt  }
0x76: {  	_ =	shalt  }
0x77: {  	_ =	shalt  }
0x78: {  	_ =	shalt  }
0x79: {  	_ =	shalt  }
0x7a: {  	_ =	shalt  }
0x7b: {  	_ =	shalt  }
0x7c: {  	_ =	shalt  }
0x7d: {  	_ =	shalt  }
0x7e: {  	_ =	shalt  }
0x7f: {  	_ =	shalt  }
0x80: {  	_ =	shalt  }
0x81: {  	_ =	shalt  }
0x82: {  	_ =	shalt  }
0x83: {  	_ =	shalt  }
0x84: {  	_ =	shalt  }
0x85: {  	_ =	shalt  }
0x86: {  	_ =	shalt  }
0x87: {  	_ =	shalt  }
.Lfunc_end0:
.L_simem_size_0:
called_computation.1_lowered:
.L_overlay_start_0:
0x88: {  	s2 =	sld [smem:$0x3FD9]  }
0x89: {  	s3 =	sld [smem:$0x3FFE];
	_ =	sdelay $0x1  }
0x8a: {  	s1 =	srdreg.scid  }
0x8b: {  	s0 =	sand.u32 $0x1, s1  }
0x8c: {  	s17 =	sshll.u32 s0, $0xA;
	s2 =	sadd.s32 s3, s2  }
0x8d: {  	s2 =	sadd.s32 s2, s17  }
0x8e: {  	[smem:$0x3FB4] =	sst s2  }
0x8f: {  	_ = 	snop  }
0x90: {  	s2 =	sld [smem:$0x3FD0];
	(tm) =	ssettm $0x1  }
0x91: {  	s18 =	sld [smem:$0x3FFB];
	_ =	sdelay $0x3  }
0x92: {  	_ =	strace s18  }
0x93: {  	s3 =	sld [smem:$0x3FFC];
	_ =	sdelay $0x3  }
0x94: {  	_ =	strace s3  }
0x95: {  	s3 =	sld [smem:$0x3FFD];
	_ =	sdelay $0x3  }
0x96: {  	_ =	strace s3  }
0x97: {  	_ =	strace $0x8FFFFFFF  }
0x98: {  	s19 =	sld [smem:$0x3FDB];
	_ =	sdelay $0x1  }
0x99: {  	s4 =	simm.s32 $_scs_section_size  }
0x9a: {  	s5 =	simm.s32 $_size__tile_overlayer_lowered;
	s6 =	simm.s32 $_tile_overlayer_lowered  }
0x9b: {  	s22 =	simm.s32 $0x1BFF;
	s21 =	sshll.u32 s6, $0x1;
	s3 =	sadd.s32 s4, s19  }
0x9c: {  	s7 =	simm.s32 $0x0;
	s20 =	sshll.u32 s5, $0x1;
	s5 =	sadd.s32 s21, s3  }
0x9d: {  	[timem:s7], [sflag:s22] =	dma.local [hbm:s5], s20  }
0x9e: {  	_ =	swait.ge [sflag:s22], s20  }
0x9f: {  	s4 =	ssub.s32 $0x0, s20;
	[sflag:s22] =	ssyncset.done $0x0  }
0xa0: {  	[sflag:s22] =	ssyncadd.s32 s4;
	_ =	sdelay $0x1  }
0xa1: {  	s23 =	simm.s32 $0x1B8B  }
0xa2: {  	_ =	swait.ge [sflag:s23], $0x1  }
0xa3: {  	[sflag:s23] =	ssyncset.done $0x0  }
0xa4: {  	s25 =	simm.s32 $0x1B8E;
	s24 =	sld [smem:$0x3FFE];
	[sflag:s23] =	ssyncadd.s32 $0xFFFFFFFF  }
0xa5: {  	s26 =	simm.s32 $execute0_lowered;
	[smem:$0x3FD2] =	sst s25  }
0xa6: {  	s5 =	sshll.u32 s26, $0x1;
	_ =	strace $0x80000049;
	[dreg:$0x1] =	wrdreg $0xFFFFFFFF  }
0xa7: {  	s28 =	simm.s32 $_size_execute0_lowered;
	s3 =	sadd.s32 s3, s5;
	[dreg:$0x0] =	wrdreg $0x0  }
0xa8: {  	s5 =	sshll.u32 s28, $0x1;
	[dreg:$0x2] =	wrdreg s3  }
0xa9: {  	[dreg:$0x3] =	wrdreg s5  }
0xaa: {  	[dreg:$0x4] =	wrdreg $0xC0  }
0xab: {  	_ =	task [dreg:s7], $0x5FFFF  }
0xac: {  	[dreg:$0x1] =	wrdreg $0xFFFFFFFF  }
0xad: {  	[dreg:$0x0] =	wrdreg $0x60  }
0xae: {  	[dreg:$0x2] =	wrdreg s24  }
0xaf: {  	[dreg:$0x3] =	wrdreg s2  }
0xb0: {  	[dreg:$0x4] =	wrdreg $0xC6200  }
0xb1: {  	[dreg:$0x5] =	wrdreg $0x9  }
0xb2: {  	_ =	task.clear_ibuf [dreg:s7], $0x6FFFF;
	_ =	strace $0x90000049  }
0xb3: {  	s29 =	simm.s32 $0x9;
	_ =	strace $0x8000004B  }
0xb4: {  	_ =	swait.ge [sflag:s29], $0x1  }
0xb5: {  	[sflag:s29] =	ssyncadd.s32 $0xFFFFFFFF  }
0xb6: {  	_ =	strace $0x9000004B  }
0xb7: {  	_ =	sfence  }
0xb8: {  	s30 =	sld [smem:$0x0];
	_ =	sdelay $0x2  }
0xb9: {  	s31 =	sshll.u32 s1, $0xD;
	s1 =	sshrl.u32 s1, $0x2  }
0xba: {  	s3 =	sand.u32 $0x4000, s31;
	s1 =	sadd.s32 s1, s30  }
0xbb: {  	s0 =	sor.u32 s3, s0;
	s1 =	sshll.u32 s1, $0x11  }
0xbc: {  	s0 =	sor.u32 s1, s0  }
0xbd: {  	s0 =	sadd.s32 $0x8F2B, s0  }
0xbe: {  	[sflag:s0] =	ssyncadd.remote.s32 $0x1  }
0xbf: {  	_ =	sfence.sel $0xFFFF  }
0xc0: {  	[dreg:$0x0] =	wrdreg $0xFFFFFFFF;
	(pc) =	sbr.abs _section_cstart, $3  }
0xc1: {  	[dreg:$0x1] =	wrdreg $0xFFFFFFFF  }
0xc2: {  	_ =	task.clear_ibuf [dreg:s7], $0x2FFFF;
	_ =	strace $0x9FFFFFFF  }
0xc3: {  	(tm) =	ssettm $0x7FFFFFFF  }
tec
execute0_lowered:
.L_overlay_start_1:
0x0: {  	(tag) =	ssettag $0x1  }
0x1: {  	s0 =	rddreg [dreg:$0x0]  }
0x2: {  	s2 =	rddreg [dreg:$0x1]  }
0x3: {  	s3 =	rddreg [dreg:$0x2];
	s1 =	srdreg.scid  }
0x4: {  	s5 =	stileid.u32;
	s4 =	simm.s32 $0x0;
	s31 =	simm.s32 $0x1  }
0x5: {  	s1 =	sand.u32 $0x1, s1;
	s16 =	smul.u32 $0x2710, s5;
	[smem:$0x7FF] =	sst s4  }
0x6: {  	s19 =	sadd.s32 $0x8600, s0;
	s20 =	sadd.s32 $0x3600, s0;
	s6 =	smul.u32 $0x4E200, s5  }
0x7: {  	s7 =	sadd.s32 $0x12400, s0;
	s18 =	smul.u32 $0x27100, s1;
	s1 =	ssub.s32 $0x2, s1  }
0x8: {  	_ =	strace $0x8000004A;
	[dreg:$0x4] =	wrdreg s7;
	s15 =	sshrl.u32 s1, $0x1  }
0x9: {  	s8 =	sshrl.u32 s6, $0x2;
	s6 =	sshll.u32 s5, $0x6;
	s14 =	sadd.s32 $0x7D0, s16  }
0xa: {  	s22 =	sshrl.u32 s16, $0x3;
	s10 =	sadd.s32 s16, s18;
	s1 =	ssub.s32 s1, s15  }
0xb: {  	s7 =	sadd.s32 s8, s3;
	s8 =	sor.u32 $0x1C07, s6;
	s21 =	sadd.s32 s18, s14  }
0xc: {  	s12 =	sadd.s32 s20, s22;
	s24 =	sshrl.u32 s14, $0x3;
	s22 =	sadd.s32 $0x1F40, s16  }
0xd: {  	s0 =	sadd.s32 s10, s0;
	s17 =	sshrl.u32 s10, $0x3;
	s10 =	smax.u32 s1, $0x1  }
0xe: {  	s14 =	sadd.s32 s20, s24;
	s28 =	sadd.s32 s18, s22;
	s30 =	sshrl.u32 s22, $0x3  }
0xf: {  	s1 =	simm.s32 $0x7;
	s22 =	simm.s32 $0x8;
	s9 =	sadd.s32 $0x14C00, s0  }
0x10: {  	s11 =	sadd.s32 s19, s17;
	s0 =	sshrl.u32 s21, $0x3;
	s17 =	sadd.s32 $0xFA0, s16  }
0x11: {  	s21 =	sadd.s32 $0x1770, s16;
	s13 =	sadd.s32 s19, s0;
	s23 =	sadd.s32 s18, s17  }
0x12: {  	s25 =	sadd.s32 s18, s21;
	s26 =	sshrl.u32 s17, $0x3;
	s29 =	sshrl.u32 s21, $0x3  }
0x13: {  	s21 =	simm.s32 $0x50;
	s0 =	sshrl.u32 s23, $0x3;
	s16 =	sadd.s32 s20, s26  }
0x14: {  	s18 =	sadd.s32 s20, s29;
	s15 =	sadd.s32 s19, s0;
	s0 =	sshrl.u32 s25, $0x3  }
0x15: {  	s20 =	sadd.s32 s20, s30;
	s17 =	sadd.s32 s19, s0;
	s0 =	sshrl.u32 s28, $0x3  }
0x16: {  	s23 =	simm.s32 $0x0;
	s19 =	sadd.s32 s19, s0;
	s0 =	simm.s32 $0x2  }
.LBB2_1:
0x17: {  	s24 =	sshrl.u32 s7, $0x3;
	s5 =	rddreg [dreg:$0x4]  }
0x18: {  	[spmem:s24], [sflag:s8] =	dma.local [hbm:s5], $0x2710  }
0x19: {  	[tilespmem:s4], [sflag:$0x1] =	stream.linear.gather [hbm4b:s11+s4], $0x7D0, $0x38;
	[tilespmem:$0x1FEA0] =	vst v63  }
0x1a: {  	s30 =	simm.s32 $0x2710  }
0x1b: {  	[tilespmem:s30], [sflag:$0x2] =	stream.linear.gather [hbm4b:s12+s4], $0x7D0, $0x38;
	[tilespmem:$0x1FEA0] =	vst v63  }
0x1c: {  	s25 =	simm.s32 $0x7D0  }
0x1d: {  	[tilespmem:s25], [sflag:$0x1] =	stream.linear.gather [hbm4b:s13+s4], $0x7D0, $0x38;
	[tilespmem:$0x1FEA0] =	vst v63  }
0x1e: {  	s26 =	simm.s32 $0x2EE0  }
0x1f: {  	[tilespmem:s26], [sflag:$0x2] =	stream.linear.gather [hbm4b:s14+s4], $0x7D0, $0x38;
	[tilespmem:$0x1FEA0] =	vst v63  }
0x20: {  	s29 =	simm.s32 $0xFA0  }
0x21: {  	[tilespmem:s29], [sflag:$0x1] =	stream.linear.gather [hbm4b:s15+s4], $0x7D0, $0x38;
	[tilespmem:$0x1FEA0] =	vst v63  }
0x22: {  	s30 =	simm.s32 $0x36B0  }
0x23: {  	[tilespmem:s30], [sflag:$0x2] =	stream.linear.gather [hbm4b:s16+s4], $0x7D0, $0x38;
	[tilespmem:$0x1FEA0] =	vst v63  }
0x24: {  	s25 =	simm.s32 $0x1770  }
0x25: {  	[tilespmem:s25], [sflag:$0x1] =	stream.linear.gather [hbm4b:s17+s4], $0x7D0, $0x38;
	[tilespmem:$0x1FEA0] =	vst v63  }
0x26: {  	s26 =	simm.s32 $0x3E80  }
0x27: {  	[tilespmem:s26], [sflag:$0x2] =	stream.linear.gather [hbm4b:s18+s4], $0x7D0, $0x38;
	[tilespmem:$0x1FEA0] =	vst v63  }
0x28: {  	s29 =	simm.s32 $0x1F40  }
0x29: {  	[tilespmem:s29], [sflag:$0x1] =	stream.linear.gather [hbm4b:s19+s4], $0x7D0, $0x38;
	[tilespmem:$0x1FEA0] =	vst v63  }
0x2a: {  	s30 =	simm.s32 $0x4650  }
0x2b: {  	[tilespmem:s30], [sflag:$0x2] =	stream.linear.gather [hbm4b:s20+s4], $0x7D0, $0x38;
	[tilespmem:$0x1FEA0] =	vst v63  }
0x2c: {  	_ =	swait.ge [sflag:s31], $0x7D0  }
0x2d: {  	[sflag:s31] =	ssyncset.done $0x0  }
0x2e: {  	[sflag:s31] =	ssyncadd.s32 $0xFFFFF830  }
0x2f: {  	_ =	swait.ge [sflag:s0], $0x7D0  }
0x30: {  	[sflag:s0] =	ssyncset.done $0x0  }
0x31: {  	[sflag:s0] =	ssyncadd.s32 $0xFFFFF830  }
0x32: {  	_ =	swait.ge [sflag:s31], $0x7D0  }
0x33: {  	[sflag:s31] =	ssyncset.done $0x0  }
0x34: {  	[sflag:s31] =	ssyncadd.s32 $0xFFFFF830  }
0x35: {  	_ =	swait.ge [sflag:s0], $0x7D0  }
0x36: {  	[sflag:s0] =	ssyncset.done $0x0  }
0x37: {  	[sflag:s0] =	ssyncadd.s32 $0xFFFFF830  }
0x38: {  	_ =	swait.ge [sflag:s31], $0x7D0  }
0x39: {  	[sflag:s31] =	ssyncset.done $0x0  }
0x3a: {  	[sflag:s31] =	ssyncadd.s32 $0xFFFFF830  }
0x3b: {  	_ =	swait.ge [sflag:s0], $0x7D0  }
0x3c: {  	[sflag:s0] =	ssyncset.done $0x0  }
0x3d: {  	[sflag:s0] =	ssyncadd.s32 $0xFFFFF830  }
0x3e: {  	_ =	swait.ge [sflag:s31], $0x7D0  }
0x3f: {  	[sflag:s31] =	ssyncset.done $0x0  }
0x40: {  	[sflag:s31] =	ssyncadd.s32 $0xFFFFF830  }
0x41: {  	_ =	swait.ge [sflag:s0], $0x7D0  }
0x42: {  	[sflag:s0] =	ssyncset.done $0x0  }
0x43: {  	[sflag:s0] =	ssyncadd.s32 $0xFFFFF830  }
0x44: {  	_ =	swait.ge [sflag:s31], $0x7D0  }
0x45: {  	[sflag:s31] =	ssyncset.done $0x0  }
0x46: {  	[sflag:s31] =	ssyncadd.s32 $0xFFFFF830  }
0x47: {  	_ =	swait.ge [sflag:s0], $0x7D0  }
0x48: {  	[sflag:s0] =	ssyncset.done $0x0  }
0x49: {  	[sflag:s0] =	ssyncadd.s32 $0xFFFFF830  }
0x4a: {  	_ =	swait.ge [sflag:s1], $0x2710  }
0x4b: {  	[sflag:s1] =	ssyncset.done $0x0  }
0x4c: {  	s28 =	simm.s32 $0x0;
	[sflag:s1] =	ssyncadd.s32 $0xFFFFD8F0  }
0x4d: {  	s25 =	simm.s32 $0x26C0;
	s26 =	simm.s32 $0x0;
	[bflag:$0x0] =	sbarrier.arrive $0xFFFF  }
.LBB2_2:
0x4e: {  	s29 =	smul.u32 $0xAB, s28;
	_ =	sdelay $0x1  }
0x4f: {  	s29 =	sshrl.u32 s29, $0x9  }
0x50: {  	s29 =	sand.u32 $0x7F, s29  }
0x51: {  	s29 =	smul.u32 $0x3, s29;
	_ =	sdelay $0x1  }
0x52: {  	s29 =	ssub.s32 s28, s29  }
0x53: {  	p0 =	slt.u32 s28, $0x3;
	s29 =	sand.u32 $0xFF, s29  }
0x54: {  	s30 =	sadd.s32 @!p0 $0x4, s29  }
0x55: {  	p1 =	sgt.u32 @!p0 s28, $0x7C;
	_ =	swait.ge @!p0 [sflag:s30], $0x2800  }
0x56: {  	p1 =	por p0, !p1;
	[sflag:s30] =	ssyncset.done @!p0 $0x0  }
0x57: {  	[sflag:s30] =	ssyncadd.s32 @!p0 $0xFFFFD800;
	s30 =	smul.u32 @p1 $0xA000, s29;
	_ =	sdelay $0x1  }
0x58: {  	s30 =	sshrl.u32 @p1 s30, $0x2  }
0x59: {  	s29 =	sadd.s32 @p1 $0x1, s29;
	s30 =	sadd.s32 @p1 $0x4E20, s30  }
0x5a: {  	[tilespmem:s30], [sflag:s29] =	stream.indirect.gather @p1 [hbm4b:s2+s21], $0x80, s26, s21, $0xb8;
	[tilespmem:$0x1FEA0] =	vst v63  }
0x5b: {  	s29 =	sadd.s32 $0x2, s28  }
0x5c: {  	s5 =	sand.u32 $0xFF, s29  }
0x5d: {  	s30 =	smul.u32 $0xAB, s5;
	_ =	sdelay $0x1  }
0x5e: {  	s30 =	sshrl.u32 s30, $0x9  }
0x5f: {  	s30 =	smul.u32 $0x3, s30;
	_ =	sdelay $0x1  }
0x60: {  	s5 =	sadd.s32 $0xFFFFFFFF, s28;
	s29 =	ssub.s32 s29, s30  }
0x61: {  	p0 =	sgt.u32 s5, $0x7C;
	s29 =	sand.u32 $0xFF, s29  }
0x62: {  	s30 =	smul.u32 @!p0 $0xA000, s29  }
0x63: {  	s5 =	sadd.s32 @!p0 $0x1, s29  }
0x64: {  	_ =	swait.ge @!p0 [sflag:s5], $0x2800;
	s30 =	sshrl.u32 @!p0 s30, $0x2  }
0x65: {  	s28 =	sadd.s32 $0x1, s28;
	[sflag:s5] =	ssyncset.done @!p0 $0x0;
	s30 =	sadd.s32 @!p0 $0x4E20, s30  }
0x66: {  	[sflag:s5] =	ssyncadd.s32 @!p0 $0xFFFFD800;
	s5 =	sadd.s32 @!p0 $0x4, s29;
	s29 =	simm.s32 @!p0 $0x50  }
0x67: {  	[spmem:s3] =	stream.indirect.scatter.add.f32 @!p0 [tilespmem:s30], [sflag:s5], $0x80, s25, s29, $0xb8;
	[tilespmem:$0x1FEA0] =	vst v63  }
0x68: {  	p0 =	sne.s32 s28, $0x80  }
.Ltmp0:
0x69: {  	_ = 	snop;
	(pc) =	sbr.rel @p0 .LBB2_2-.Ltmp0, $2  }
0x6a: {  	_ =	sdelay $0x2  }
0x6b: {  	s26 =	sadd.s32 $0x50, s26;
	s25 =	sadd.s32 $0x50, s25  }
0x6c: {  	s23 =	sadd.s32 $0x1, s23  }
0x6d: {  	p0 =	sne.s32 s23, s10  }
.Ltmp1:
0x6e: {  	[bflag:$0x0] =	sbarrier.arrive $0xFFFF;
	s5 =	sor.u32 $0x1C08, s6;
	(pc) =	sbr.rel @p0 .LBB2_1-.Ltmp1, $4  }
0x6f: {  	[hbm:s9], [sflag:s5] =	dma.local [spmem:s24], $0x2710  }
0x70: {  	_ =	swait.ge [sflag:s22], $0x2710  }
0x71: {  	[sflag:s22] =	ssyncset.done $0x0  }
0x72: {  	[sflag:s22] =	ssyncadd.s32 $0xFFFFD8F0  }
0x73: {  	_ =	sfence.sel $0x180000  }
0x74: {  	[bflag:$0x0] =	sbarrier.arrive $0xFFFF  }
0x75: {  	_ =	strace $0x9000004A  }
0x76: {  	s0 =	stileid.u32;
	[bflag:$0x2] =	sbarrier.arrive $0xFFFF  }
0x77: {  	p0 =	sne.s32 s0, $0x0;
	s0 =	rddreg [dreg:$0x3]  }
0x78: {  	s0 =	sadd.s32 @!p0 $0x100000, s0  }
0x79: {  	[sflag:s0] =	ssyncadd.tile.s32 @!p0 $0x1;
	_ =	shalt  }
.Lfunc_end2:
_tile_overlayer_lowered:
.L_overlay_start_2:
0x7a: {  	(tag) =	ssettag $0x2  }
0x7b: {  	s0 =	rddreg [dreg:$0x0];
	s2 =	stileid.u32  }
0x7c: {  	s1 =	rddreg [dreg:$0x1];
	p0 =	sne.s32 s2, $0x0  }
0x7d: {  	s3 =	rddreg [dreg:$0x2];
	[bflag:$0x3] =	sbarrier.arrive $0xFFFF;
	s2 =	simm.s32 @!p0 $0x1C08  }
0x7e: {  	[timem:s3], [sflag:s2] =	dma.local @!p0 [hbm:s0], s1  }
0x7f: {  	s0 =	simm.s32 @!p0 $0x8  }
0x80: {  	_ =	swait.ge @!p0 [sflag:s0], s1  }
0x81: {  	s1 =	ssub.s32 @!p0 $0x0, s1;
	[sflag:s0] =	ssyncset.done @!p0 $0x0  }
0x82: {  	[sflag:s0] =	ssyncadd.s32 @!p0 s1  }
0x83: {  	[bflag:$0x3] =	sbarrier.arrive $0xFFFF  }
0x84: {  	_ =	shalt  }

// kernel: kernel.17.cloned.1.call-start
scs
__scs_entry_jumppad:
0x0: {  	(pc) =	sbr.rel $0x88, $3  }
0x1: {  	(tag) =	ssettag $0x0;
	lr =	simm.s32 $0x1  }
0x2: {  	[smem:$0x3F8D] =	sst lr;
	_ =	strace $0xD0000000  }
0x3: {  	_ = 	snop  }
0x4: {  	_ = 	snop  }
0x5: {  	_ = 	snop  }
0x6: {  	_ = 	snop  }
0x7: {  	_ = 	snop  }
__scs_overlays_trampoline_lowered:
0x8: {  	[smem:$0x3F9C] =	sst s0  }
0x9: {  	[smem:$0x3F9D] =	sst s1  }
0xa: {  	[smem:$0x3F9E] =	sst s2  }
0xb: {  	[smem:$0x3F9F] =	sst s3  }
0xc: {  	[smem:$0x3FA0] =	sst s4  }
0xd: {  	[smem:$0x3FA1] =	sst s5  }
0xe: {  	[smem:$0x3FA2] =	sst s6  }
0xf: {  	[smem:$0x3FA3] =	sst s7  }
0x10: {  	[smem:$0x3FA4] =	sst s8  }
0x11: {  	[smem:$0x3FA5] =	sst s9;
	s0 =	simm.s32 @!p0 $0x0  }
0x12: {  	s1 =	sld [smem:$0x3F8B];
	s0 =	simm.s32 @p0 $0x1  }
0x13: {  	[smem:$0x3FA6] =	sst s0;
	s0 =	simm.s32 @!p1 $0x0  }
0x14: {  	s2 =	sld [smem:$0x3F8A];
	s0 =	simm.s32 @p1 $0x1  }
0x15: {  	[smem:$0x3FA7] =	sst s0;
	s0 =	simm.s32 @!p2 $0x0  }
0x16: {  	s3 =	sld [smem:$0x3FDB];
	s0 =	simm.s32 @p2 $0x1  }
0x17: {  	s4 =	simm.s32 $0x1BF5;
	[smem:$0x3FA9] =	sst s0  }
0x18: {  	s0 =	sld [smem:$0x3F8C];
	_ =	swait.ge [sflag:s4], $0x0  }
0x19: {  	s7 =	sld [smem:$0x3F8D]  }
0x1a: {  	s8 =	sadd.s32 $0xFFFFE003, lr  }
0x1b: {  	s9 =	sadd.s32 $0xFFFFFEF7, lr;
	s5 =	simm.s32 $0xFFFFFFFF;
	p2 =	slt.u32 s8, $0xFFFFF086  }
0x1c: {  	p1 =	slt.u32 s9, $0xF7A;
	s5 =	simm.s32 @!p2 $0x0  }
0x1d: {  	s5 =	simm.s32 @p1 $0x1;
	p0 =	seq.s32 s7, s2  }
0x1e: {  	s7 =	smul.u32 @!p0 $0xF7A, s2;
	p2 =	seq.s32 @!p0 s5, $0x0  }
0x1f: {  	s9 =	smul.u32 $0xF7A, s1;
	s8 =	simm.s32 @!p0 $0x1BF5;
	p2 =	por !p2, p0  }
0x20: {  	[sflag:s8] =	ssyncset.s32 @!p0 $0xFFFFF086;
	s6 =	sadd.s32 @!p0 s3, s7;
	s7 =	simm.s32 @!p0 $0x108  }
0x21: {  	s3 =	sadd.s32 s3, s9;
	s6 =	sadd.s32 @!p0 $0x88, s6;
	s7 =	simm.s32 @p2 $0x1082  }
0x22: {  	[simem:s7], [sflag:s8] =	dma.local @!p0 [hbm:s6], $0xF7A  }
0x23: {  	s9 =	sor.u32 $0xD0000000, s2;
	s6 =	simm.s32 $0x108;
	_ =	swait.ge @!p0 [sflag:s8], $0x0  }
0x24: {  	s3 =	sadd.s32 $0x88, s3;
	s6 =	simm.s32 @!p1 $0x1082;
	[sflag:s4] =	ssyncset.s32 $0xFFFFF086  }
0x25: {  	[simem:s6], [sflag:s4] =	dma.local [hbm:s3], $0xF7A  }
0x26: {  	[smem:$0x3F8D] =	sst s1;
	(tag) =	ssettag s2;
	_ =	strace s9  }
0x27: {  	s1 =	sld [smem:$0x3F9D]  }
0x28: {  	s2 =	sld [smem:$0x3F9E]  }
0x29: {  	s4 =	sld [smem:$0x3FA0]  }
0x2a: {  	p0 =	seq.s32 s5, $0x0;
	s5 =	sld [smem:$0x3FA1]  }
0x2b: {  	s6 =	sld [smem:$0x3FA2]  }
0x2c: {  	s7 =	sld [smem:$0x3FA3]  }
0x2d: {  	s3 =	simm.s32 $0x108;
	s8 =	sld [smem:$0x3FA4]  }
0x2e: {  	s3 =	simm.s32 @!p0 $0x1082;
	s9 =	sld [smem:$0x3FA5]  }
0x2f: {  	lr =	sadd.s32 s0, s3;
	s0 =	sld [smem:$0x3F9C]  }
0x30: {  	s3 =	sld [smem:$0x3F9F]  }
0x31: {  	[smem:$0x3FA8] =	sst s10  }
0x32: {  	s10 =	sld [smem:$0x3FA6];
	_ =	sdelay $0x3  }
0x33: {  	p0 =	seq.s32 s10, $0x1;
	s10 =	sld [smem:$0x3FA8];
	_ =	sdelay $0x3  }
0x34: {  	[smem:$0x3FA8] =	sst s10  }
0x35: {  	s10 =	sld [smem:$0x3FA7];
	_ =	sdelay $0x3  }
0x36: {  	p1 =	seq.s32 s10, $0x1;
	s10 =	sld [smem:$0x3FA8];
	_ =	sdelay $0x3  }
0x37: {  	[smem:$0x3FA8] =	sst s10  }
0x38: {  	s10 =	sld [smem:$0x3FA9]  }
0x39: {  	_ = 	snop;
	(pc) =	sbr.ind lr, $3  }
0x3a: {  	_ = 	snop  }
0x3b: {  	_ = 	snop  }
0x3c: {  	p2 =	seq.s32 s10, $0x1;
	s10 =	sld [smem:$0x3FA8]  }
0x3d: {  	_ =	shalt  }
0x3e: {  	_ =	shalt  }
0x3f: {  	_ =	shalt  }
0x40: {  	_ =	shalt  }
0x41: {  	_ =	shalt  }
0x42: {  	_ =	shalt  }
0x43: {  	_ =	shalt  }
0x44: {  	_ =	shalt  }
0x45: {  	_ =	shalt  }
0x46: {  	_ =	shalt  }
0x47: {  	_ =	shalt  }
0x48: {  	_ =	shalt  }
0x49: {  	_ =	shalt  }
0x4a: {  	_ =	shalt  }
0x4b: {  	_ =	shalt  }
0x4c: {  	_ =	shalt  }
0x4d: {  	_ =	shalt  }
0x4e: {  	_ =	shalt  }
0x4f: {  	_ =	shalt  }
0x50: {  	_ =	shalt  }
0x51: {  	_ =	shalt  }
0x52: {  	_ =	shalt  }
0x53: {  	_ =	shalt  }
0x54: {  	_ =	shalt  }
0x55: {  	_ =	shalt  }
0x56: {  	_ =	shalt  }
0x57: {  	_ =	shalt  }
0x58: {  	_ =	shalt  }
0x59: {  	_ =	shalt  }
0x5a: {  	_ =	shalt  }
0x5b: {  	_ =	shalt  }
0x5c: {  	_ =	shalt  }
0x5d: {  	_ =	shalt  }
0x5e: {  	_ =	shalt  }
0x5f: {  	_ =	shalt  }
0x60: {  	_ =	shalt  }
0x61: {  	_ =	shalt  }
0x62: {  	_ =	shalt  }
0x63: {  	_ =	shalt  }
0x64: {  	_ =	shalt  }
0x65: {  	_ =	shalt  }
0x66: {  	_ =	shalt  }
0x67: {  	_ =	shalt  }
0x68: {  	_ =	shalt  }
0x69: {  	_ =	shalt  }
0x6a: {  	_ =	shalt  }
0x6b: {  	_ =	shalt  }
0x6c: {  	_ =	shalt  }
0x6d: {  	_ =	shalt  }
0x6e: {  	_ =	shalt  }
0x6f: {  	_ =	shalt  }
0x70: {  	_ =	shalt  }
0x71: {  	_ =	shalt  }
0x72: {  	_ =	shalt  }
0x73: {  	_ =	shalt  }
0x74: {  	_ =	shalt  }
0x75: {  	_ =	shalt  }
0x76: {  	_ =	shalt  }
0x77: {  	_ =	shalt  }
0x78: {  	_ =	shalt  }
0x79: {  	_ =	shalt  }
0x7a: {  	_ =	shalt  }
0x7b: {  	_ =	shalt  }
0x7c: {  	_ =	shalt  }
0x7d: {  	_ =	shalt  }
0x7e: {  	_ =	shalt  }
0x7f: {  	_ =	shalt  }
0x80: {  	_ =	shalt  }
0x81: {  	_ =	shalt  }
0x82: {  	_ =	shalt  }
0x83: {  	_ =	shalt  }
0x84: {  	_ =	shalt  }
0x85: {  	_ =	shalt  }
0x86: {  	_ =	shalt  }
0x87: {  	_ =	shalt  }
.Lfunc_end0:
.L_simem_size_0:
called_computation.2_lowered:
.L_overlay_start_0:
0x88: {  	s2 =	sld [smem:$0x3FD9]  }
0x89: {  	s3 =	sld [smem:$0x3FFE];
	_ =	sdelay $0x1  }
0x8a: {  	s1 =	srdreg.scid  }
0x8b: {  	s0 =	sand.u32 $0x1, s1  }
0x8c: {  	s17 =	sshll.u32 s0, $0xA;
	s2 =	sadd.s32 s3, s2  }
0x8d: {  	s2 =	sadd.s32 s2, s17  }
0x8e: {  	[smem:$0x3FB4] =	sst s2  }
0x8f: {  	_ = 	snop  }
0x90: {  	s2 =	sld [smem:$0x3FD0];
	(tm) =	ssettm $0x1  }
0x91: {  	s18 =	sld [smem:$0x3FFB];
	_ =	sdelay $0x3  }
0x92: {  	_ =	strace s18  }
0x93: {  	s3 =	sld [smem:$0x3FFC];
	_ =	sdelay $0x3  }
0x94: {  	_ =	strace s3  }
0x95: {  	s3 =	sld [smem:$0x3FFD];
	_ =	sdelay $0x3  }
0x96: {  	_ =	strace s3  }
0x97: {  	_ =	strace $0x8FFFFFFF  }
0x98: {  	s19 =	sld [smem:$0x3FDB];
	_ =	sdelay $0x1  }
0x99: {  	s4 =	simm.s32 $_scs_section_size  }
0x9a: {  	s5 =	simm.s32 $_size__tile_overlayer_lowered;
	s6 =	simm.s32 $_tile_overlayer_lowered  }
0x9b: {  	s22 =	simm.s32 $0x1BFF;
	s21 =	sshll.u32 s6, $0x1;
	s3 =	sadd.s32 s4, s19  }
0x9c: {  	s7 =	simm.s32 $0x0;
	s20 =	sshll.u32 s5, $0x1;
	s5 =	sadd.s32 s21, s3  }
0x9d: {  	[timem:s7], [sflag:s22] =	dma.local [hbm:s5], s20  }
0x9e: {  	_ =	swait.ge [sflag:s22], s20  }
0x9f: {  	s4 =	ssub.s32 $0x0, s20;
	[sflag:s22] =	ssyncset.done $0x0  }
0xa0: {  	[sflag:s22] =	ssyncadd.s32 s4;
	_ =	sdelay $0x1  }
0xa1: {  	s23 =	simm.s32 $0x1B8B  }
0xa2: {  	_ =	swait.ge [sflag:s23], $0x1  }
0xa3: {  	[sflag:s23] =	ssyncset.done $0x0  }
0xa4: {  	s25 =	simm.s32 $0x1B8E;
	s24 =	sld [smem:$0x3FFE];
	[sflag:s23] =	ssyncadd.s32 $0xFFFFFFFF  }
0xa5: {  	s26 =	simm.s32 $execute0_lowered;
	[smem:$0x3FD2] =	sst s25  }
0xa6: {  	s5 =	sshll.u32 s26, $0x1;
	_ =	strace $0x8000004C;
	[dreg:$0x1] =	wrdreg $0xFFFFFFFF  }
0xa7: {  	s28 =	simm.s32 $_size_execute0_lowered;
	s3 =	sadd.s32 s3, s5;
	[dreg:$0x0] =	wrdreg $0x0  }
0xa8: {  	s5 =	sshll.u32 s28, $0x1;
	[dreg:$0x2] =	wrdreg s3  }
0xa9: {  	[dreg:$0x3] =	wrdreg s5  }
0xaa: {  	[dreg:$0x4] =	wrdreg $0xC0  }
0xab: {  	_ =	task [dreg:s7], $0x5FFFF  }
0xac: {  	[dreg:$0x1] =	wrdreg $0xFFFFFFFF  }
0xad: {  	[dreg:$0x0] =	wrdreg $0x60  }
0xae: {  	[dreg:$0x2] =	wrdreg s24  }
0xaf: {  	[dreg:$0x3] =	wrdreg s2  }
0xb0: {  	[dreg:$0x4] =	wrdreg $0xC6200  }
0xb1: {  	[dreg:$0x5] =	wrdreg $0x9  }
0xb2: {  	_ =	task.clear_ibuf [dreg:s7], $0x6FFFF;
	_ =	strace $0x9000004C  }
0xb3: {  	s29 =	simm.s32 $0x9;
	_ =	strace $0x8000004E  }
0xb4: {  	_ =	swait.ge [sflag:s29], $0x1  }
0xb5: {  	[sflag:s29] =	ssyncadd.s32 $0xFFFFFFFF  }
0xb6: {  	_ =	strace $0x9000004E  }
0xb7: {  	_ =	sfence  }
0xb8: {  	s30 =	sld [smem:$0x0];
	_ =	sdelay $0x2  }
0xb9: {  	s31 =	sshll.u32 s1, $0xD;
	s1 =	sshrl.u32 s1, $0x2  }
0xba: {  	s3 =	sand.u32 $0x4000, s31;
	s1 =	sadd.s32 s1, s30  }
0xbb: {  	s0 =	sor.u32 s3, s0;
	s1 =	sshll.u32 s1, $0x11  }
0xbc: {  	s0 =	sor.u32 s1, s0  }
0xbd: {  	s0 =	sadd.s32 $0x8F2B, s0  }
0xbe: {  	[sflag:s0] =	ssyncadd.remote.s32 $0x1  }
0xbf: {  	_ =	sfence.sel $0xFFFF  }
0xc0: {  	[dreg:$0x0] =	wrdreg $0xFFFFFFFF;
	(pc) =	sbr.abs _section_cstart, $3  }
0xc1: {  	[dreg:$0x1] =	wrdreg $0xFFFFFFFF  }
0xc2: {  	_ =	task.clear_ibuf [dreg:s7], $0x2FFFF;
	_ =	strace $0x9FFFFFFF  }
0xc3: {  	(tm) =	ssettm $0x7FFFFFFF  }
tec
execute0_lowered:
.L_overlay_start_1:
0x0: {  	(tag) =	ssettag $0x1  }
0x1: {  	s0 =	rddreg [dreg:$0x0]  }
0x2: {  	s2 =	rddreg [dreg:$0x1]  }
0x3: {  	s3 =	rddreg [dreg:$0x2];
	s1 =	srdreg.scid  }
0x4: {  	s5 =	stileid.u32;
	s4 =	simm.s32 $0x0;
	s31 =	simm.s32 $0x1  }
0x5: {  	s1 =	sand.u32 $0x1, s1;
	s16 =	smul.u32 $0x2710, s5;
	[smem:$0x7FF] =	sst s4  }
0x6: {  	s19 =	sadd.s32 $0x8600, s0;
	s20 =	sadd.s32 $0x3600, s0;
	s6 =	smul.u32 $0x4E200, s5  }
0x7: {  	s7 =	sadd.s32 $0x12400, s0;
	s18 =	smul.u32 $0x27100, s1;
	s1 =	ssub.s32 $0x2, s1  }
0x8: {  	_ =	strace $0x8000004D;
	[dreg:$0x4] =	wrdreg s7;
	s15 =	sshrl.u32 s1, $0x1  }
0x9: {  	s8 =	sshrl.u32 s6, $0x2;
	s6 =	sshll.u32 s5, $0x6;
	s14 =	sadd.s32 $0x7D0, s16  }
0xa: {  	s22 =	sshrl.u32 s16, $0x3;
	s10 =	sadd.s32 s16, s18;
	s1 =	ssub.s32 s1, s15  }
0xb: {  	s7 =	sadd.s32 s8, s3;
	s8 =	sor.u32 $0x1C07, s6;
	s21 =	sadd.s32 s18, s14  }
0xc: {  	s12 =	sadd.s32 s20, s22;
	s24 =	sshrl.u32 s14, $0x3;
	s22 =	sadd.s32 $0x1F40, s16  }
0xd: {  	s0 =	sadd.s32 s10, s0;
	s17 =	sshrl.u32 s10, $0x3;
	s10 =	smax.u32 s1, $0x1  }
0xe: {  	s14 =	sadd.s32 s20, s24;
	s28 =	sadd.s32 s18, s22;
	s30 =	sshrl.u32 s22, $0x3  }
0xf: {  	s1 =	simm.s32 $0x7;
	s22 =	simm.s32 $0x8;
	s9 =	sadd.s32 $0x14C00, s0  }
0x10: {  	s11 =	sadd.s32 s19, s17;
	s0 =	sshrl.u32 s21, $0x3;
	s17 =	sadd.s32 $0xFA0, s16  }
0x11: {  	s21 =	sadd.s32 $0x1770, s16;
	s13 =	sadd.s32 s19, s0;
	s23 =	sadd.s32 s18, s17  }
0x12: {  	s25 =	sadd.s32 s18, s21;
	s26 =	sshrl.u32 s17, $0x3;
	s29 =	sshrl.u32 s21, $0x3  }
0x13: {  	s21 =	simm.s32 $0x50;
	s0 =	sshrl.u32 s23, $0x3;
	s16 =	sadd.s32 s20, s26  }
0x14: {  	s18 =	sadd.s32 s20, s29;
	s15 =	sadd.s32 s19, s0;
	s0 =	sshrl.u32 s25, $0x3  }
0x15: {  	s20 =	sadd.s32 s20, s30;
	s17 =	sadd.s32 s19, s0;
	s0 =	sshrl.u32 s28, $0x3  }
0x16: {  	s23 =	simm.s32 $0x0;
	s19 =	sadd.s32 s19, s0;
	s0 =	simm.s32 $0x2  }
.LBB2_1:
0x17: {  	s24 =	sshrl.u32 s7, $0x3;
	s5 =	rddreg [dreg:$0x4]  }
0x18: {  	[spmem:s24], [sflag:s8] =	dma.local [hbm:s5], $0x2710  }
0x19: {  	[tilespmem:s4], [sflag:$0x1] =	stream.linear.gather [hbm4b:s11+s4], $0x7D0, $0x38;
	[tilespmem:$0x1FEA0] =	vst v63  }
0x1a: {  	s30 =	simm.s32 $0x2710  }
0x1b: {  	[tilespmem:s30], [sflag:$0x2] =	stream.linear.gather [hbm4b:s12+s4], $0x7D0, $0x38;
	[tilespmem:$0x1FEA0] =	vst v63  }
0x1c: {  	s25 =	simm.s32 $0x7D0  }
0x1d: {  	[tilespmem:s25], [sflag:$0x1] =	stream.linear.gather [hbm4b:s13+s4], $0x7D0, $0x38;
	[tilespmem:$0x1FEA0] =	vst v63  }
0x1e: {  	s26 =	simm.s32 $0x2EE0  }
0x1f: {  	[tilespmem:s26], [sflag:$0x2] =	stream.linear.gather [hbm4b:s14+s4], $0x7D0, $0x38;
	[tilespmem:$0x1FEA0] =	vst v63  }
0x20: {  	s29 =	simm.s32 $0xFA0  }
0x21: {  	[tilespmem:s29], [sflag:$0x1] =	stream.linear.gather [hbm4b:s15+s4], $0x7D0, $0x38;
	[tilespmem:$0x1FEA0] =	vst v63  }
0x22: {  	s30 =	simm.s32 $0x36B0  }
0x23: {  	[tilespmem:s30], [sflag:$0x2] =	stream.linear.gather [hbm4b:s16+s4], $0x7D0, $0x38;
	[tilespmem:$0x1FEA0] =	vst v63  }
0x24: {  	s25 =	simm.s32 $0x1770  }
0x25: {  	[tilespmem:s25], [sflag:$0x1] =	stream.linear.gather [hbm4b:s17+s4], $0x7D0, $0x38;
	[tilespmem:$0x1FEA0] =	vst v63  }
0x26: {  	s26 =	simm.s32 $0x3E80  }
0x27: {  	[tilespmem:s26], [sflag:$0x2] =	stream.linear.gather [hbm4b:s18+s4], $0x7D0, $0x38;
	[tilespmem:$0x1FEA0] =	vst v63  }
0x28: {  	s29 =	simm.s32 $0x1F40  }
0x29: {  	[tilespmem:s29], [sflag:$0x1] =	stream.linear.gather [hbm4b:s19+s4], $0x7D0, $0x38;
	[tilespmem:$0x1FEA0] =	vst v63  }
0x2a: {  	s30 =	simm.s32 $0x4650  }
0x2b: {  	[tilespmem:s30], [sflag:$0x2] =	stream.linear.gather [hbm4b:s20+s4], $0x7D0, $0x38;
	[tilespmem:$0x1FEA0] =	vst v63  }
0x2c: {  	_ =	swait.ge [sflag:s31], $0x7D0  }
0x2d: {  	[sflag:s31] =	ssyncset.done $0x0  }
0x2e: {  	[sflag:s31] =	ssyncadd.s32 $0xFFFFF830  }
0x2f: {  	_ =	swait.ge [sflag:s0], $0x7D0  }
0x30: {  	[sflag:s0] =	ssyncset.done $0x0  }
0x31: {  	[sflag:s0] =	ssyncadd.s32 $0xFFFFF830  }
0x32: {  	_ =	swait.ge [sflag:s31], $0x7D0  }
0x33: {  	[sflag:s31] =	ssyncset.done $0x0  }
0x34: {  	[sflag:s31] =	ssyncadd.s32 $0xFFFFF830  }
0x35: {  	_ =	swait.ge [sflag:s0], $0x7D0  }
0x36: {  	[sflag:s0] =	ssyncset.done $0x0  }
0x37: {  	[sflag:s0] =	ssyncadd.s32 $0xFFFFF830  }
0x38: {  	_ =	swait.ge [sflag:s31], $0x7D0  }
0x39: {  	[sflag:s31] =	ssyncset.done $0x0  }
0x3a: {  	[sflag:s31] =	ssyncadd.s32 $0xFFFFF830  }
0x3b: {  	_ =	swait.ge [sflag:s0], $0x7D0  }
0x3c: {  	[sflag:s0] =	ssyncset.done $0x0  }
0x3d: {  	[sflag:s0] =	ssyncadd.s32 $0xFFFFF830  }
0x3e: {  	_ =	swait.ge [sflag:s31], $0x7D0  }
0x3f: {  	[sflag:s31] =	ssyncset.done $0x0  }
0x40: {  	[sflag:s31] =	ssyncadd.s32 $0xFFFFF830  }
0x41: {  	_ =	swait.ge [sflag:s0], $0x7D0  }
0x42: {  	[sflag:s0] =	ssyncset.done $0x0  }
0x43: {  	[sflag:s0] =	ssyncadd.s32 $0xFFFFF830  }
0x44: {  	_ =	swait.ge [sflag:s31], $0x7D0  }
0x45: {  	[sflag:s31] =	ssyncset.done $0x0  }
0x46: {  	[sflag:s31] =	ssyncadd.s32 $0xFFFFF830  }
0x47: {  	_ =	swait.ge [sflag:s0], $0x7D0  }
0x48: {  	[sflag:s0] =	ssyncset.done $0x0  }
0x49: {  	[sflag:s0] =	ssyncadd.s32 $0xFFFFF830  }
0x4a: {  	_ =	swait.ge [sflag:s1], $0x2710  }
0x4b: {  	[sflag:s1] =	ssyncset.done $0x0  }
0x4c: {  	s28 =	simm.s32 $0x0;
	[sflag:s1] =	ssyncadd.s32 $0xFFFFD8F0  }
0x4d: {  	s25 =	simm.s32 $0x26C0;
	s26 =	simm.s32 $0x0;
	[bflag:$0x0] =	sbarrier.arrive $0xFFFF  }
.LBB2_2:
0x4e: {  	s29 =	smul.u32 $0xAB, s28;
	_ =	sdelay $0x1  }
0x4f: {  	s29 =	sshrl.u32 s29, $0x9  }
0x50: {  	s29 =	sand.u32 $0x7F, s29  }
0x51: {  	s29 =	smul.u32 $0x3, s29;
	_ =	sdelay $0x1  }
0x52: {  	s29 =	ssub.s32 s28, s29  }
0x53: {  	p0 =	slt.u32 s28, $0x3;
	s29 =	sand.u32 $0xFF, s29  }
0x54: {  	s30 =	sadd.s32 @!p0 $0x4, s29  }
0x55: {  	p1 =	sgt.u32 @!p0 s28, $0x7C;
	_ =	swait.ge @!p0 [sflag:s30], $0x2800  }
0x56: {  	p1 =	por p0, !p1;
	[sflag:s30] =	ssyncset.done @!p0 $0x0  }
0x57: {  	[sflag:s30] =	ssyncadd.s32 @!p0 $0xFFFFD800;
	s30 =	smul.u32 @p1 $0xA000, s29;
	_ =	sdelay $0x1  }
0x58: {  	s30 =	sshrl.u32 @p1 s30, $0x2  }
0x59: {  	s29 =	sadd.s32 @p1 $0x1, s29;
	s30 =	sadd.s32 @p1 $0x4E20, s30  }
0x5a: {  	[tilespmem:s30], [sflag:s29] =	stream.indirect.gather @p1 [hbm4b:s2+s21], $0x80, s26, s21, $0xb8;
	[tilespmem:$0x1FEA0] =	vst v63  }
0x5b: {  	s29 =	sadd.s32 $0x2, s28  }
0x5c: {  	s5 =	sand.u32 $0xFF, s29  }
0x5d: {  	s30 =	smul.u32 $0xAB, s5;
	_ =	sdelay $0x1  }
0x5e: {  	s30 =	sshrl.u32 s30, $0x9  }
0x5f: {  	s30 =	smul.u32 $0x3, s30;
	_ =	sdelay $0x1  }
0x60: {  	s5 =	sadd.s32 $0xFFFFFFFF, s28;
	s29 =	ssub.s32 s29, s30  }
0x61: {  	p0 =	sgt.u32 s5, $0x7C;
	s29 =	sand.u32 $0xFF, s29  }
0x62: {  	s30 =	smul.u32 @!p0 $0xA000, s29  }
0x63: {  	s5 =	sadd.s32 @!p0 $0x1, s29  }
0x64: {  	_ =	swait.ge @!p0 [sflag:s5], $0x2800;
	s30 =	sshrl.u32 @!p0 s30, $0x2  }
0x65: {  	s28 =	sadd.s32 $0x1, s28;
	[sflag:s5] =	ssyncset.done @!p0 $0x0;
	s30 =	sadd.s32 @!p0 $0x4E20, s30  }
0x66: {  	[sflag:s5] =	ssyncadd.s32 @!p0 $0xFFFFD800;
	s5 =	sadd.s32 @!p0 $0x4, s29;
	s29 =	simm.s32 @!p0 $0x50  }
0x67: {  	[spmem:s3] =	stream.indirect.scatter.add.f32 @!p0 [tilespmem:s30], [sflag:s5], $0x80, s25, s29, $0xb8;
	[tilespmem:$0x1FEA0] =	vst v63  }
0x68: {  	p0 =	sne.s32 s28, $0x80  }
.Ltmp0:
0x69: {  	_ = 	snop;
	(pc) =	sbr.rel @p0 .LBB2_2-.Ltmp0, $2  }
0x6a: {  	_ =	sdelay $0x2  }
0x6b: {  	s26 =	sadd.s32 $0x50, s26;
	s25 =	sadd.s32 $0x50, s25  }
0x6c: {  	s23 =	sadd.s32 $0x1, s23  }
0x6d: {  	p0 =	sne.s32 s23, s10  }
.Ltmp1:
0x6e: {  	[bflag:$0x0] =	sbarrier.arrive $0xFFFF;
	s5 =	sor.u32 $0x1C08, s6;
	(pc) =	sbr.rel @p0 .LBB2_1-.Ltmp1, $4  }
0x6f: {  	[hbm:s9], [sflag:s5] =	dma.local [spmem:s24], $0x2710  }
0x70: {  	_ =	swait.ge [sflag:s22], $0x2710  }
0x71: {  	[sflag:s22] =	ssyncset.done $0x0  }
0x72: {  	[sflag:s22] =	ssyncadd.s32 $0xFFFFD8F0  }
0x73: {  	_ =	sfence.sel $0x180000  }
0x74: {  	[bflag:$0x0] =	sbarrier.arrive $0xFFFF  }
0x75: {  	_ =	strace $0x9000004D  }
0x76: {  	s0 =	stileid.u32;
	[bflag:$0x2] =	sbarrier.arrive $0xFFFF  }
0x77: {  	p0 =	sne.s32 s0, $0x0;
	s0 =	rddreg [dreg:$0x3]  }
0x78: {  	s0 =	sadd.s32 @!p0 $0x100000, s0  }
0x79: {  	[sflag:s0] =	ssyncadd.tile.s32 @!p0 $0x1;
	_ =	shalt  }
.Lfunc_end2:
_tile_overlayer_lowered:
.L_overlay_start_2:
0x7a: {  	(tag) =	ssettag $0x2  }
0x7b: {  	s0 =	rddreg [dreg:$0x0];
	s2 =	stileid.u32  }
0x7c: {  	s1 =	rddreg [dreg:$0x1];
	p0 =	sne.s32 s2, $0x0  }
0x7d: {  	s3 =	rddreg [dreg:$0x2];
	[bflag:$0x3] =	sbarrier.arrive $0xFFFF;
	s2 =	simm.s32 @!p0 $0x1C08  }
0x7e: {  	[timem:s3], [sflag:s2] =	dma.local @!p0 [hbm:s0], s1  }
0x7f: {  	s0 =	simm.s32 @!p0 $0x8  }
0x80: {  	_ =	swait.ge @!p0 [sflag:s0], s1  }
0x81: {  	s1 =	ssub.s32 @!p0 $0x0, s1;
	[sflag:s0] =	ssyncset.done @!p0 $0x0  }
0x82: {  	[sflag:s0] =	ssyncadd.s32 @!p0 s1  }
0x83: {  	[bflag:$0x3] =	sbarrier.arrive $0xFFFF  }
0x84: {  	_ =	shalt  }

</sc_bundles>
